<compile_context>
chip_gen: v7x
topology: tpu7x:2x2x1
jax: 0.10.2.dev20260603
libtpu: 0.0.44.dev20260713+nightly
codegen_flags: <defaults>
</compile_context>

<pallas_src>
import jax
import jax.numpy as jnp
from jax import lax
from jax.experimental import pallas as pl
from jax.experimental.pallas import tpu as pltpu
from jax.experimental.pallas import tpu_sc as plsc

DIV_GUARD = 1e-05

NC, NS, L = 2, 16, 16
NW = NC * NS

B, F, T = 16, 512, 2048
ROWS = B * F
KSC = 1
SC_ROWS = KSC * F
RPW = SC_ROWS // NW
RC = 8
NCHUNK = RPW // RC
TV = T // L
UB = 8
NB = TV // UB


def _lane_shuffle(v, perm):
    dnums = lax.GatherDimensionNumbers(
        offset_dims=(), collapsed_slice_dims=(0,), start_index_map=(0,)
    )
    return lax.gather(
        v, perm[:, None], dnums, (1,),
        mode=lax.GatherScatterMode.PROMISE_IN_BOUNDS,
    )


def _row_normalize(buf, bit_v, r, n_i, n_f, fb, lanes, zeros):

    def p1(jb, carry):
        s, ss = carry
        for u in range(UB):
            v = buf[r, pl.ds((jb * UB + u) * L, L)]
            s = s + v
            ss = ss + v * v
        return s, ss

    s, ss = lax.fori_loop(0, fb, p1, (zeros, zeros))
    for u in range(UB):
        j = fb * UB + u
        t = lanes + j * L
        v = buf[r, pl.ds(j * L, L)]
        vm = jnp.where(t < n_i, v, 0.0)
        s = s + vm
        ss = ss + vm * vm
    for sh in (8, 4, 2, 1):
        perm = lanes ^ sh
        s = s + _lane_shuffle(s, perm)
        ss = ss + _lane_shuffle(ss, perm)
    mean_v = s / n_f
    var_v = (ss - n_f * mean_v * mean_v) / (n_f - 1.0)
    var_v = jnp.maximum(var_v, 1e-30)
    bit_v.bitcast(jnp.float32)[0, :] = var_v
    iv = bit_v[0, :]
    iv = 0x5F3759DF - lax.shift_right_logical(iv, 1)
    bit_v[0, :] = iv
    y = bit_v.bitcast(jnp.float32)[0, :]
    for _ in range(3):
        y = y * (1.5 - 0.5 * var_v * y * y)
    std = var_v * y + DIV_GUARD
    inv = 1.0 / std

    def p2(jb, _):
        for u in range(UB):
            j2 = jb * UB + u
            v = buf[r, pl.ds(j2 * L, L)]
            buf[r, pl.ds(j2 * L, L)] = (v - mean_v) * inv
        return 0

    lax.fori_loop(0, fb, p2, 0)
    for u in range(UB):
        j = fb * UB + u
        t = lanes + j * L
        v = buf[r, pl.ds(j * L, L)]
        buf[r, pl.ds(j * L, L)] = jnp.where(t < n_i, (v - mean_v) * inv, 0.0)

    def p3(jb, _):
        for u in range(UB):
            buf[r, pl.ds((jb * UB + u) * L, L)] = zeros
        return 0

    lax.fori_loop(fb + 1, NB, p3, 0)


def _sc_body(x_hbm, sl_hbm, out_hbm, sl_v, bit_v, buf):
    wid = lax.axis_index("s") * NC + lax.axis_index("c")
    b = wid // (NW // KSC)
    pltpu.sync_copy(sl_hbm, sl_v)
    lanes = lax.iota(jnp.int32, L)
    zeros = jnp.zeros((L,), jnp.float32)
    slv = sl_v[...]
    n_i = jnp.int32(0)
    for j in range(L):
        n_i = jnp.where(b == j, slv[j], n_i)
    n_f = n_i.astype(jnp.float32)
    fb = n_i // (UB * L)
    base = wid * RPW

    def chunk_body(c, _):
        row0 = base + c * RC
        pltpu.sync_copy(x_hbm.at[pl.ds(row0, RC)], buf)

        def rows(r, _2):
            _row_normalize(buf, bit_v, r, n_i, n_f, fb, lanes, zeros)
            return 0

        lax.fori_loop(0, RC, rows, 0)
        pltpu.sync_copy(buf, out_hbm.at[pl.ds(row0, RC)])
        return 0

    lax.fori_loop(0, NCHUNK, chunk_body, 0)


def _sc_part(x2, sl):
    mesh = plsc.VectorSubcoreMesh(
        core_axis_name="c", subcore_axis_name="s", num_cores=NC, num_subcores=NS
    )
    return pl.kernel(
        _sc_body,
        out_type=jax.ShapeDtypeStruct((ROWS, T), jnp.float32),
        mesh=mesh,
        scratch_types=[
            pltpu.VMEM((L,), jnp.int32),
            pltpu.VMEM((1, L), jnp.int32),
            pltpu.VMEM((RC, T), jnp.float32),
        ],
    )(x2, sl)


def _tc_body(sl_ref, x_ref, sc_ref, o_ref):
    del sc_ref
    bt = pl.program_id(0)
    n = sl_ref[bt + KSC].astype(jnp.float32)
    xv = x_ref[...]
    t = jax.lax.broadcasted_iota(jnp.int32, (1, 1, T), 2)
    mask = (t < sl_ref[bt + KSC]).astype(jnp.float32)
    xm = xv * mask
    s = jnp.sum(xm, axis=2, keepdims=True)
    ss = jnp.sum(xm * xm, axis=2, keepdims=True)
    mean = s / n
    var = (ss - n * mean * mean) / (n - 1.0)
    var = jnp.maximum(var, 0.0)
    std = jnp.sqrt(var) + DIV_GUARD
    o_ref[...] = (xm - mean * mask) / std


def _tc_part(sl, x, sc_full):
    nb = B - KSC
    return pl.pallas_call(
        _tc_body,
        grid=(nb,),
        in_specs=[
            pl.BlockSpec(memory_space=pltpu.SMEM),
            pl.BlockSpec((1, F, T), lambda bb: (bb + KSC, 0, 0)),
            pl.BlockSpec(memory_space=pl.ANY),
        ],
        out_specs=pl.BlockSpec((1, F, T), lambda bb: (bb + KSC, 0, 0)),
        out_shape=jax.ShapeDtypeStruct((B, F, T), x.dtype),
        input_output_aliases={2: 0},
    )(sl, x, sc_full)


def kernel(x, seq_lens):
    sl = seq_lens.astype(jnp.int32)
    x2 = x.reshape(ROWS, T)
    sc_full = _sc_part(x2, sl).reshape(B, F, T)
    return _tc_part(sl, x, sc_full)

# --- scband reference (transcript-rebuilt; emitter-appended) ---
"""Pipeline reference for scband-feature-batch-normalizer-55637006352944 (READ-ONLY COPY).

The authoritative reference and input builder live on the scoring server;
editing this copy changes nothing except your own understanding.
"""

import jax, jax.numpy as jnp
import numpy as np

DIV_GUARD = 1e-05


def setup_inputs(seed: int = 0) -> dict:
    key = jax.random.key(seed)
    k1, k2 = jax.random.split(key)
    x = jax.random.normal(k1, (16, 512, 2048), dtype=jnp.float32)
    seq_lens = jax.random.randint(k2, (16,), 0, 2048, dtype=jnp.int64 if jax.config.jax_enable_x64 else jnp.int32)
    # guard: lengths must be >= 2 so the unbiased std (ddof=1) is finite
    seq_lens = jnp.maximum(seq_lens, 2).astype(jnp.int32)
    return {"x": x, "seq_lens": seq_lens}


def reference(x, seq_lens):
    # x: (batch, features, time); seq_lens: (batch,)
    seq_lens = seq_lens.astype(jnp.int32)
    B, F, T = x.shape
    # mask[b, t] = t < seq_lens[b]
    mask = (jnp.arange(T, dtype=jnp.int32)[None, :] < seq_lens[:, None]).astype(x.dtype)  # (B, T)
    m = mask[:, None, :]  # (B, 1, T)
    n = seq_lens.astype(x.dtype)[:, None]  # (B, 1)
    # masked mean over valid time steps
    x_mean = jnp.sum(x * m, axis=2) / n  # (B, F)
    # unbiased std over valid time steps (torch.std default ddof=1)
    diff = (x - x_mean[:, :, None]) * m
    x_var = jnp.sum(diff * diff, axis=2) / (n - 1.0)  # (B, F)
    x_std = jnp.sqrt(x_var) + DIV_GUARD  # (B, F)
    out = (x - x_mean[:, :, None]) / x_std[:, :, None]
    # zero out the padded tail
    out = out * m
    return out

if __name__ == "__main__":
    import jax
    _d = setup_inputs()
    print(jax.jit(kernel)(*tuple(_d.values())))

</pallas_src>

<mosaic_0001>
#map = affine_map<(d0, d1) -> (0, 0)>
#map1 = affine_map<(d0, d1) -> (0)>
module attributes {stable_mosaic.version = 14 : i64} {
  func.func @_sc_body(%arg0: i32, %arg1: i32, %arg2: memref<8192x2048xf32, #tpu.memory_space<hbm>>, %arg3: memref<16xi32, #tpu.memory_space<hbm>>, %arg4: memref<8192x2048xf32, #tpu.memory_space<hbm>>, %arg5: memref<16xi32, #tpu.memory_space<vmem>>, %arg6: memref<1x16xi32, #tpu.memory_space<vmem>>, %arg7: memref<8x2048xf32, #tpu.memory_space<vmem>>) attributes {dimension_semantics = [#tpu.dimension_semantics<core_parallel>, #tpu.dimension_semantics<subcore_parallel>], iteration_bounds = array<i64: 2, 16>, scalar_prefetch = 0 : i64, scratch_operands = 3 : i64, tpu.core_type = #tpu.core_type<sc_vector_subcore>, window_params = [{transform_indices = #map}, {transform_indices = #map1}, {transform_indices = #map}]} {
    %mul3A = arith.constant 2 : i32
    %mul3A_0 = arith.muli %arg1, %mul3A : i32
    %add3A = arith.addi %mul3A_0, %arg0 : i32
    %jit3A = arith.constant 32 : i32
    %div3A = arith.divsi %add3A, %jit3A : i32
    %sign3A = arith.constant 0 : i32
    %sign3A_1 = arith.cmpi sgt, %add3A, %sign3A : i32
    %sign3A_2 = arith.extui %sign3A_1 : i1 to i32
    %sign3A_3 = arith.constant 0 : i32
    %sign3A_4 = arith.cmpi slt, %add3A, %sign3A_3 : i32
    %sign3A_5 = arith.extui %sign3A_4 : i1 to i32
    %sign3A_6 = arith.subi %sign3A_2, %sign3A_5 : i32
    %sign3A_7 = arith.constant 0 : i32
    %sign3A_8 = arith.cmpi sgt, %jit3A, %sign3A_7 : i32
    %sign3A_9 = arith.extui %sign3A_8 : i1 to i32
    %sign3A_10 = arith.constant 0 : i32
    %sign3A_11 = arith.cmpi slt, %jit3A, %sign3A_10 : i32
    %sign3A_12 = arith.extui %sign3A_11 : i1 to i32
    %sign3A_13 = arith.subi %sign3A_9, %sign3A_12 : i32
    %ne3A = arith.cmpi ne, %sign3A_6, %sign3A_13 : i32
    %rem3A = arith.remsi %add3A, %jit3A : i32
    %ne3A_14 = arith.constant 0 : i32
    %ne3A_15 = arith.cmpi ne, %rem3A, %ne3A_14 : i32
    %and3A = arith.andi %ne3A, %ne3A_15 : i1
    %sub3A = arith.constant 1 : i32
    %sub3A_16 = arith.subi %div3A, %sub3A : i32
    %select_n3A = arith.select %and3A, %sub3A_16, %div3A : i32
    "tpu.region"() ({
      %run_scoped3A = tpu.sem_alloc : memref<!tpu.dma_semaphore, #tpu.memory_space<semaphore_mem>>
      tpu.enqueue_dma source(%arg3 : memref<16xi32, #tpu.memory_space<hbm>>) target(%arg5 : memref<16xi32, #tpu.memory_space<vmem>>) target_semaphore(%run_scoped3A : memref<!tpu.dma_semaphore, #tpu.memory_space<semaphore_mem>>)
      tpu.wait_dma2 semaphore(%run_scoped3A : memref<!tpu.dma_semaphore, #tpu.memory_space<semaphore_mem>>) src(%arg3 : memref<16xi32, #tpu.memory_space<hbm>>) dst(%arg5 : memref<16xi32, #tpu.memory_space<vmem>>)
      tpu.yield
    }) : () -> ()
    %iota3A = tpu.iota {dimensions = array<i32: 0>} : vector<16xi32>
    %broadcast_in_dim3A = arith.constant 0.000000e+00 : f32
    %broadcast_in_dim3A_17 = vector.broadcast %broadcast_in_dim3A : f32 to vector<16xf32>
    %get3A = arith.constant 0 : index
    %get3A_18 = tpu.vector_load %arg5[%get3A] {strides = array<i32>} : memref<16xi32, #tpu.memory_space<vmem>>, vector<16xi32>,
    %get3A_19 = vector.shape_cast %get3A_18 : vector<16xi32> to vector<16xi32>
    %eq3A = arith.constant 0 : i32
    %eq3A_20 = arith.cmpi eq, %select_n3A, %eq3A : i32
    %slice3A = vector.extract_strided_slice %get3A_19 {offsets = [0], sizes = [1], strides = [1]} : vector<16xi32> to vector<1xi32>
    %squeeze3A = vector.extract %slice3A[0] : i32 from vector<1xi32>
    %jit3A_21 = arith.constant 0 : i32
    %select_n3A_22 = arith.select %eq3A_20, %squeeze3A, %jit3A_21 : i32
    %eq3A_23 = arith.constant 1 : i32
    %eq3A_24 = arith.cmpi eq, %select_n3A, %eq3A_23 : i32
    %slice3A_25 = vector.extract_strided_slice %get3A_19 {offsets = [1], sizes = [1], strides = [1]} : vector<16xi32> to vector<1xi32>
    %squeeze3A_26 = vector.extract %slice3A_25[0] : i32 from vector<1xi32>
    %select_n3A_27 = arith.select %eq3A_24, %squeeze3A_26, %select_n3A_22 : i32
    %eq3A_28 = arith.constant 2 : i32
    %eq3A_29 = arith.cmpi eq, %select_n3A, %eq3A_28 : i32
    %slice3A_30 = vector.extract_strided_slice %get3A_19 {offsets = [2], sizes = [1], strides = [1]} : vector<16xi32> to vector<1xi32>
    %squeeze3A_31 = vector.extract %slice3A_30[0] : i32 from vector<1xi32>
    %select_n3A_32 = arith.select %eq3A_29, %squeeze3A_31, %select_n3A_27 : i32
    %eq3A_33 = arith.constant 3 : i32
    %eq3A_34 = arith.cmpi eq, %select_n3A, %eq3A_33 : i32
    %slice3A_35 = vector.extract_strided_slice %get3A_19 {offsets = [3], sizes = [1], strides = [1]} : vector<16xi32> to vector<1xi32>
    %squeeze3A_36 = vector.extract %slice3A_35[0] : i32 from vector<1xi32>
    %select_n3A_37 = arith.select %eq3A_34, %squeeze3A_36, %select_n3A_32 : i32
    %eq3A_38 = arith.constant 4 : i32
    %eq3A_39 = arith.cmpi eq, %select_n3A, %eq3A_38 : i32
    %slice3A_40 = vector.extract_strided_slice %get3A_19 {offsets = [4], sizes = [1], strides = [1]} : vector<16xi32> to vector<1xi32>
    %squeeze3A_41 = vector.extract %slice3A_40[0] : i32 from vector<1xi32>
    %select_n3A_42 = arith.select %eq3A_39, %squeeze3A_41, %select_n3A_37 : i32
    %eq3A_43 = arith.constant 5 : i32
    %eq3A_44 = arith.cmpi eq, %select_n3A, %eq3A_43 : i32
    %slice3A_45 = vector.extract_strided_slice %get3A_19 {offsets = [5], sizes = [1], strides = [1]} : vector<16xi32> to vector<1xi32>
    %squeeze3A_46 = vector.extract %slice3A_45[0] : i32 from vector<1xi32>
    %select_n3A_47 = arith.select %eq3A_44, %squeeze3A_46, %select_n3A_42 : i32
    %eq3A_48 = arith.constant 6 : i32
    %eq3A_49 = arith.cmpi eq, %select_n3A, %eq3A_48 : i32
    %slice3A_50 = vector.extract_strided_slice %get3A_19 {offsets = [6], sizes = [1], strides = [1]} : vector<16xi32> to vector<1xi32>
    %squeeze3A_51 = vector.extract %slice3A_50[0] : i32 from vector<1xi32>
    %select_n3A_52 = arith.select %eq3A_49, %squeeze3A_51, %select_n3A_47 : i32
    %eq3A_53 = arith.constant 7 : i32
    %eq3A_54 = arith.cmpi eq, %select_n3A, %eq3A_53 : i32
    %slice3A_55 = vector.extract_strided_slice %get3A_19 {offsets = [7], sizes = [1], strides = [1]} : vector<16xi32> to vector<1xi32>
    %squeeze3A_56 = vector.extract %slice3A_55[0] : i32 from vector<1xi32>
    %select_n3A_57 = arith.select %eq3A_54, %squeeze3A_56, %select_n3A_52 : i32
    %eq3A_58 = arith.constant 8 : i32
    %eq3A_59 = arith.cmpi eq, %select_n3A, %eq3A_58 : i32
    %slice3A_60 = vector.extract_strided_slice %get3A_19 {offsets = [8], sizes = [1], strides = [1]} : vector<16xi32> to vector<1xi32>
    %squeeze3A_61 = vector.extract %slice3A_60[0] : i32 from vector<1xi32>
    %select_n3A_62 = arith.select %eq3A_59, %squeeze3A_61, %select_n3A_57 : i32
    %eq3A_63 = arith.constant 9 : i32
    %eq3A_64 = arith.cmpi eq, %select_n3A, %eq3A_63 : i32
    %slice3A_65 = vector.extract_strided_slice %get3A_19 {offsets = [9], sizes = [1], strides = [1]} : vector<16xi32> to vector<1xi32>
    %squeeze3A_66 = vector.extract %slice3A_65[0] : i32 from vector<1xi32>
    %select_n3A_67 = arith.select %eq3A_64, %squeeze3A_66, %select_n3A_62 : i32
    %eq3A_68 = arith.constant 10 : i32
    %eq3A_69 = arith.cmpi eq, %select_n3A, %eq3A_68 : i32
    %slice3A_70 = vector.extract_strided_slice %get3A_19 {offsets = [10], sizes = [1], strides = [1]} : vector<16xi32> to vector<1xi32>
    %squeeze3A_71 = vector.extract %slice3A_70[0] : i32 from vector<1xi32>
    %select_n3A_72 = arith.select %eq3A_69, %squeeze3A_71, %select_n3A_67 : i32
    %eq3A_73 = arith.constant 11 : i32
    %eq3A_74 = arith.cmpi eq, %select_n3A, %eq3A_73 : i32
    %slice3A_75 = vector.extract_strided_slice %get3A_19 {offsets = [11], sizes = [1], strides = [1]} : vector<16xi32> to vector<1xi32>
    %squeeze3A_76 = vector.extract %slice3A_75[0] : i32 from vector<1xi32>
    %select_n3A_77 = arith.select %eq3A_74, %squeeze3A_76, %select_n3A_72 : i32
    %eq3A_78 = arith.constant 12 : i32
    %eq3A_79 = arith.cmpi eq, %select_n3A, %eq3A_78 : i32
    %slice3A_80 = vector.extract_strided_slice %get3A_19 {offsets = [12], sizes = [1], strides = [1]} : vector<16xi32> to vector<1xi32>
    %squeeze3A_81 = vector.extract %slice3A_80[0] : i32 from vector<1xi32>
    %select_n3A_82 = arith.select %eq3A_79, %squeeze3A_81, %select_n3A_77 : i32
    %eq3A_83 = arith.constant 13 : i32
    %eq3A_84 = arith.cmpi eq, %select_n3A, %eq3A_83 : i32
    %slice3A_85 = vector.extract_strided_slice %get3A_19 {offsets = [13], sizes = [1], strides = [1]} : vector<16xi32> to vector<1xi32>
    %squeeze3A_86 = vector.extract %slice3A_85[0] : i32 from vector<1xi32>
    %select_n3A_87 = arith.select %eq3A_84, %squeeze3A_86, %select_n3A_82 : i32
    %eq3A_88 = arith.constant 14 : i32
    %eq3A_89 = arith.cmpi eq, %select_n3A, %eq3A_88 : i32
    %slice3A_90 = vector.extract_strided_slice %get3A_19 {offsets = [14], sizes = [1], strides = [1]} : vector<16xi32> to vector<1xi32>
    %squeeze3A_91 = vector.extract %slice3A_90[0] : i32 from vector<1xi32>
    %select_n3A_92 = arith.select %eq3A_89, %squeeze3A_91, %select_n3A_87 : i32
    %eq3A_93 = arith.constant 15 : i32
    %eq3A_94 = arith.cmpi eq, %select_n3A, %eq3A_93 : i32
    %slice3A_95 = vector.extract_strided_slice %get3A_19 {offsets = [15], sizes = [1], strides = [1]} : vector<16xi32> to vector<1xi32>
    %squeeze3A_96 = vector.extract %slice3A_95[0] : i32 from vector<1xi32>
    %select_n3A_97 = arith.select %eq3A_94, %squeeze3A_96, %select_n3A_92 : i32
    %convert_element_type3A = arith.sitofp %select_n3A_97 : i32 to f32
    %jit3A_98 = arith.constant 128 : i32
    %div3A_99 = arith.divsi %select_n3A_97, %jit3A_98 : i32
    %sign3A_100 = arith.constant 0 : i32
    %sign3A_101 = arith.cmpi sgt, %select_n3A_97, %sign3A_100 : i32
    %sign3A_102 = arith.extui %sign3A_101 : i1 to i32
    %sign3A_103 = arith.constant 0 : i32
    %sign3A_104 = arith.cmpi slt, %select_n3A_97, %sign3A_103 : i32
    %sign3A_105 = arith.extui %sign3A_104 : i1 to i32
    %sign3A_106 = arith.subi %sign3A_102, %sign3A_105 : i32
    %sign3A_107 = arith.constant 0 : i32
    %sign3A_108 = arith.cmpi sgt, %jit3A_98, %sign3A_107 : i32
    %sign3A_109 = arith.extui %sign3A_108 : i1 to i32
    %sign3A_110 = arith.constant 0 : i32
    %sign3A_111 = arith.cmpi slt, %jit3A_98, %sign3A_110 : i32
    %sign3A_112 = arith.extui %sign3A_111 : i1 to i32
    %sign3A_113 = arith.subi %sign3A_109, %sign3A_112 : i32
    %ne3A_114 = arith.cmpi ne, %sign3A_106, %sign3A_113 : i32
    %rem3A_115 = arith.remsi %select_n3A_97, %jit3A_98 : i32
    %ne3A_116 = arith.constant 0 : i32
    %ne3A_117 = arith.cmpi ne, %rem3A_115, %ne3A_116 : i32
    %and3A_118 = arith.andi %ne3A_114, %ne3A_117 : i1
    %sub3A_119 = arith.constant 1 : i32
    %sub3A_120 = arith.subi %div3A_99, %sub3A_119 : i32
    %select_n3A_121 = arith.select %and3A_118, %sub3A_120, %div3A_99 : i32
    %mul3A_122 = arith.constant 16 : i32
    %mul3A_123 = arith.muli %add3A, %mul3A_122 : i32
    %scan3A = arith.constant 0 : i32
    %scan3A_124 = arith.constant 0 : i32
    %scan3A_125 = arith.constant 2 : i32
    %scan3A_126 = arith.addi %scan3A_124, %scan3A_125 : i32
    %scan3A_127 = arith.constant 1 : i32
    %scan3A_128 = scf.for %scan3A_130 = %scan3A_124 to %scan3A_126 step %scan3A_127 iter_args(%scan3A_131 = %scan3A) -> (i32)  : i32 {
      %mul3A_132 = arith.constant 8 : i32
      %mul3A_133 = arith.muli %scan3A_130, %mul3A_132 : i32
      %add3A_134 = arith.addi %mul3A_123, %mul3A_133 : i32
      "tpu.region"() ({
        %run_scoped3A = tpu.sem_alloc : memref<!tpu.dma_semaphore, #tpu.memory_space<semaphore_mem>>
        %dma_start3A = arith.constant 0 : i32
        %dma_start3A_143 = tpu.memref_slice %arg2[%add3A_134, %dma_start3A] : memref<8192x2048xf32, #tpu.memory_space<hbm>> -> memref<8x2048xf32, #tpu.memory_space<hbm>>
        %dma_start3A_144 = arith.constant 0 : i32
        %dma_start3A_145 = tpu.memref_slice %arg2[%add3A_134, %dma_start3A_144] : memref<8192x2048xf32, #tpu.memory_space<hbm>> -> memref<8x2048xf32, #tpu.memory_space<hbm>>
        tpu.enqueue_dma source(%dma_start3A_145 : memref<8x2048xf32, #tpu.memory_space<hbm>>) target(%arg7 : memref<8x2048xf32, #tpu.memory_space<vmem>>) target_semaphore(%run_scoped3A : memref<!tpu.dma_semaphore, #tpu.memory_space<semaphore_mem>>)
        %dma_wait3A = arith.constant 0 : i32
        %dma_wait3A_146 = tpu.memref_slice %arg2[%add3A_134, %dma_wait3A] : memref<8192x2048xf32, #tpu.memory_space<hbm>> -> memref<8x2048xf32, #tpu.memory_space<hbm>>
        %dma_wait3A_147 = arith.constant 0 : i32
        %dma_wait3A_148 = tpu.memref_slice %arg2[%add3A_134, %dma_wait3A_147] : memref<8192x2048xf32, #tpu.memory_space<hbm>> -> memref<8x2048xf32, #tpu.memory_space<hbm>>
        tpu.wait_dma2 semaphore(%run_scoped3A : memref<!tpu.dma_semaphore, #tpu.memory_space<semaphore_mem>>) src(%dma_wait3A_148 : memref<8x2048xf32, #tpu.memory_space<hbm>>) dst(%arg7 : memref<8x2048xf32, #tpu.memory_space<vmem>>)
        tpu.yield
      }) : () -> ()
      %scan3A_135 = arith.constant 0 : i32
      %scan3A_136 = arith.constant 0 : i32
      %scan3A_137 = arith.constant 8 : i32
      %scan3A_138 = arith.addi %scan3A_136, %scan3A_137 : i32
      %scan3A_139 = arith.constant 1 : i32
      %scan3A_140 = scf.for %scan3A_143 = %scan3A_136 to %scan3A_138 step %scan3A_139 iter_args(%scan3A_144 = %scan3A_135) -> (i32)  : i32 {
        %while3A = arith.constant 0 : i32
        %while3A_145 = arith.subi %select_n3A_121, %while3A : i32
        %while3A_146 = arith.addi %while3A, %while3A_145 : i32
        %while3A_147 = arith.constant 1 : i32
        %while3A_148 = arith.divsi %while3A_145, %while3A_147 : i32
        %while3A_149 = arith.muli %while3A_148, %while3A_147 : i32
        %while3A_150 = arith.addi %while3A, %while3A_149 : i32
        %while3A_151 = arith.constant 1 : i32
        %while3A_152:2 = scf.for %while3A_697 = %while3A to %while3A_150 step %while3A_151 iter_args(%while3A_698 = %broadcast_in_dim3A_17, %while3A_699 = %broadcast_in_dim3A_17) -> (vector<16xf32>, vector<16xf32>)  : i32 {
          %mul3A_700 = arith.constant 8 : i32
          %mul3A_701 = arith.muli %while3A_697, %mul3A_700 : i32
          %add3A_702 = arith.constant 0 : i32
          %add3A_703 = arith.addi %mul3A_701, %add3A_702 : i32
          %mul3A_704 = arith.constant 16 : i32
          %mul3A_705 = arith.muli %add3A_703, %mul3A_704 : i32
          %get3A_706 = arith.index_cast %scan3A_143 : i32 to index
          %get3A_707 = arith.index_cast %mul3A_705 : i32 to index
          %get3A_708 = tpu.vector_load %arg7[%get3A_706, %get3A_707] {strides = array<i32>} : memref<8x2048xf32, #tpu.memory_space<vmem>>, vector<1x16xf32>,
          %get3A_709 = vector.shape_cast %get3A_708 : vector<1x16xf32> to vector<16xf32>
          %add3A_710 = arith.addf %while3A_698, %get3A_709 : vector<16xf32>
          %mul3A_711 = arith.mulf %get3A_709, %get3A_709 : vector<16xf32>
          %add3A_712 = arith.addf %while3A_699, %mul3A_711 : vector<16xf32>
          %mul3A_713 = arith.constant 8 : i32
          %mul3A_714 = arith.muli %while3A_697, %mul3A_713 : i32
          %add3A_715 = arith.constant 1 : i32
          %add3A_716 = arith.addi %mul3A_714, %add3A_715 : i32
          %mul3A_717 = arith.constant 16 : i32
          %mul3A_718 = arith.muli %add3A_716, %mul3A_717 : i32
          %get3A_719 = arith.index_cast %scan3A_143 : i32 to index
          %get3A_720 = arith.index_cast %mul3A_718 : i32 to index
          %get3A_721 = tpu.vector_load %arg7[%get3A_719, %get3A_720] {strides = array<i32>} : memref<8x2048xf32, #tpu.memory_space<vmem>>, vector<1x16xf32>,
          %get3A_722 = vector.shape_cast %get3A_721 : vector<1x16xf32> to vector<16xf32>
          %add3A_723 = arith.addf %add3A_710, %get3A_722 : vector<16xf32>
          %mul3A_724 = arith.mulf %get3A_722, %get3A_722 : vector<16xf32>
          %add3A_725 = arith.addf %add3A_712, %mul3A_724 : vector<16xf32>
          %mul3A_726 = arith.constant 8 : i32
          %mul3A_727 = arith.muli %while3A_697, %mul3A_726 : i32
          %add3A_728 = arith.constant 2 : i32
          %add3A_729 = arith.addi %mul3A_727, %add3A_728 : i32
          %mul3A_730 = arith.constant 16 : i32
          %mul3A_731 = arith.muli %add3A_729, %mul3A_730 : i32
          %get3A_732 = arith.index_cast %scan3A_143 : i32 to index
          %get3A_733 = arith.index_cast %mul3A_731 : i32 to index
          %get3A_734 = tpu.vector_load %arg7[%get3A_732, %get3A_733] {strides = array<i32>} : memref<8x2048xf32, #tpu.memory_space<vmem>>, vector<1x16xf32>,
          %get3A_735 = vector.shape_cast %get3A_734 : vector<1x16xf32> to vector<16xf32>
          %add3A_736 = arith.addf %add3A_723, %get3A_735 : vector<16xf32>
          %mul3A_737 = arith.mulf %get3A_735, %get3A_735 : vector<16xf32>
          %add3A_738 = arith.addf %add3A_725, %mul3A_737 : vector<16xf32>
          %mul3A_739 = arith.constant 8 : i32
          %mul3A_740 = arith.muli %while3A_697, %mul3A_739 : i32
          %add3A_741 = arith.constant 3 : i32
          %add3A_742 = arith.addi %mul3A_740, %add3A_741 : i32
          %mul3A_743 = arith.constant 16 : i32
          %mul3A_744 = arith.muli %add3A_742, %mul3A_743 : i32
          %get3A_745 = arith.index_cast %scan3A_143 : i32 to index
          %get3A_746 = arith.index_cast %mul3A_744 : i32 to index
          %get3A_747 = tpu.vector_load %arg7[%get3A_745, %get3A_746] {strides = array<i32>} : memref<8x2048xf32, #tpu.memory_space<vmem>>, vector<1x16xf32>,
          %get3A_748 = vector.shape_cast %get3A_747 : vector<1x16xf32> to vector<16xf32>
          %add3A_749 = arith.addf %add3A_736, %get3A_748 : vector<16xf32>
          %mul3A_750 = arith.mulf %get3A_748, %get3A_748 : vector<16xf32>
          %add3A_751 = arith.addf %add3A_738, %mul3A_750 : vector<16xf32>
          %mul3A_752 = arith.constant 8 : i32
          %mul3A_753 = arith.muli %while3A_697, %mul3A_752 : i32
          %add3A_754 = arith.constant 4 : i32
          %add3A_755 = arith.addi %mul3A_753, %add3A_754 : i32
          %mul3A_756 = arith.constant 16 : i32
          %mul3A_757 = arith.muli %add3A_755, %mul3A_756 : i32
          %get3A_758 = arith.index_cast %scan3A_143 : i32 to index
          %get3A_759 = arith.index_cast %mul3A_757 : i32 to index
          %get3A_760 = tpu.vector_load %arg7[%get3A_758, %get3A_759] {strides = array<i32>} : memref<8x2048xf32, #tpu.memory_space<vmem>>, vector<1x16xf32>,
          %get3A_761 = vector.shape_cast %get3A_760 : vector<1x16xf32> to vector<16xf32>
          %add3A_762 = arith.addf %add3A_749, %get3A_761 : vector<16xf32>
          %mul3A_763 = arith.mulf %get3A_761, %get3A_761 : vector<16xf32>
          %add3A_764 = arith.addf %add3A_751, %mul3A_763 : vector<16xf32>
          %mul3A_765 = arith.constant 8 : i32
          %mul3A_766 = arith.muli %while3A_697, %mul3A_765 : i32
          %add3A_767 = arith.constant 5 : i32
          %add3A_768 = arith.addi %mul3A_766, %add3A_767 : i32
          %mul3A_769 = arith.constant 16 : i32
          %mul3A_770 = arith.muli %add3A_768, %mul3A_769 : i32
          %get3A_771 = arith.index_cast %scan3A_143 : i32 to index
          %get3A_772 = arith.index_cast %mul3A_770 : i32 to index
          %get3A_773 = tpu.vector_load %arg7[%get3A_771, %get3A_772] {strides = array<i32>} : memref<8x2048xf32, #tpu.memory_space<vmem>>, vector<1x16xf32>,
          %get3A_774 = vector.shape_cast %get3A_773 : vector<1x16xf32> to vector<16xf32>
          %add3A_775 = arith.addf %add3A_762, %get3A_774 : vector<16xf32>
          %mul3A_776 = arith.mulf %get3A_774, %get3A_774 : vector<16xf32>
          %add3A_777 = arith.addf %add3A_764, %mul3A_776 : vector<16xf32>
          %mul3A_778 = arith.constant 8 : i32
          %mul3A_779 = arith.muli %while3A_697, %mul3A_778 : i32
          %add3A_780 = arith.constant 6 : i32
          %add3A_781 = arith.addi %mul3A_779, %add3A_780 : i32
          %mul3A_782 = arith.constant 16 : i32
          %mul3A_783 = arith.muli %add3A_781, %mul3A_782 : i32
          %get3A_784 = arith.index_cast %scan3A_143 : i32 to index
          %get3A_785 = arith.index_cast %mul3A_783 : i32 to index
          %get3A_786 = tpu.vector_load %arg7[%get3A_784, %get3A_785] {strides = array<i32>} : memref<8x2048xf32, #tpu.memory_space<vmem>>, vector<1x16xf32>,
          %get3A_787 = vector.shape_cast %get3A_786 : vector<1x16xf32> to vector<16xf32>
          %add3A_788 = arith.addf %add3A_775, %get3A_787 : vector<16xf32>
          %mul3A_789 = arith.mulf %get3A_787, %get3A_787 : vector<16xf32>
          %add3A_790 = arith.addf %add3A_777, %mul3A_789 : vector<16xf32>
          %mul3A_791 = arith.constant 8 : i32
          %mul3A_792 = arith.muli %while3A_697, %mul3A_791 : i32
          %add3A_793 = arith.constant 7 : i32
          %add3A_794 = arith.addi %mul3A_792, %add3A_793 : i32
          %mul3A_795 = arith.constant 16 : i32
          %mul3A_796 = arith.muli %add3A_794, %mul3A_795 : i32
          %get3A_797 = arith.index_cast %scan3A_143 : i32 to index
          %get3A_798 = arith.index_cast %mul3A_796 : i32 to index
          %get3A_799 = tpu.vector_load %arg7[%get3A_797, %get3A_798] {strides = array<i32>} : memref<8x2048xf32, #tpu.memory_space<vmem>>, vector<1x16xf32>,
          %get3A_800 = vector.shape_cast %get3A_799 : vector<1x16xf32> to vector<16xf32>
          %add3A_801 = arith.addf %add3A_788, %get3A_800 : vector<16xf32>
          %mul3A_802 = arith.mulf %get3A_800, %get3A_800 : vector<16xf32>
          %add3A_803 = arith.addf %add3A_790, %mul3A_802 : vector<16xf32>
          scf.yield %add3A_801, %add3A_803 : vector<16xf32>, vector<16xf32>
        }
        %while3A_153 = arith.constant 1 : i32
        %while3A_154:2 = scf.for %while3A_697 = %while3A_150 to %while3A_146 step %while3A_153 iter_args(%while3A_698 = %while3A_152#0, %while3A_699 = %while3A_152#1) -> (vector<16xf32>, vector<16xf32>)  : i32 {
          %mul3A_700 = arith.constant 8 : i32
          %mul3A_701 = arith.muli %while3A_697, %mul3A_700 : i32
          %add3A_702 = arith.constant 0 : i32
          %add3A_703 = arith.addi %mul3A_701, %add3A_702 : i32
          %mul3A_704 = arith.constant 16 : i32
          %mul3A_705 = arith.muli %add3A_703, %mul3A_704 : i32
          %get3A_706 = arith.index_cast %scan3A_143 : i32 to index
          %get3A_707 = arith.index_cast %mul3A_705 : i32 to index
          %get3A_708 = tpu.vector_load %arg7[%get3A_706, %get3A_707] {strides = array<i32>} : memref<8x2048xf32, #tpu.memory_space<vmem>>, vector<1x16xf32>,
          %get3A_709 = vector.shape_cast %get3A_708 : vector<1x16xf32> to vector<16xf32>
          %add3A_710 = arith.addf %while3A_698, %get3A_709 : vector<16xf32>
          %mul3A_711 = arith.mulf %get3A_709, %get3A_709 : vector<16xf32>
          %add3A_712 = arith.addf %while3A_699, %mul3A_711 : vector<16xf32>
          %mul3A_713 = arith.constant 8 : i32
          %mul3A_714 = arith.muli %while3A_697, %mul3A_713 : i32
          %add3A_715 = arith.constant 1 : i32
          %add3A_716 = arith.addi %mul3A_714, %add3A_715 : i32
          %mul3A_717 = arith.constant 16 : i32
          %mul3A_718 = arith.muli %add3A_716, %mul3A_717 : i32
          %get3A_719 = arith.index_cast %scan3A_143 : i32 to index
          %get3A_720 = arith.index_cast %mul3A_718 : i32 to index
          %get3A_721 = tpu.vector_load %arg7[%get3A_719, %get3A_720] {strides = array<i32>} : memref<8x2048xf32, #tpu.memory_space<vmem>>, vector<1x16xf32>,
          %get3A_722 = vector.shape_cast %get3A_721 : vector<1x16xf32> to vector<16xf32>
          %add3A_723 = arith.addf %add3A_710, %get3A_722 : vector<16xf32>
          %mul3A_724 = arith.mulf %get3A_722, %get3A_722 : vector<16xf32>
          %add3A_725 = arith.addf %add3A_712, %mul3A_724 : vector<16xf32>
          %mul3A_726 = arith.constant 8 : i32
          %mul3A_727 = arith.muli %while3A_697, %mul3A_726 : i32
          %add3A_728 = arith.constant 2 : i32
          %add3A_729 = arith.addi %mul3A_727, %add3A_728 : i32
          %mul3A_730 = arith.constant 16 : i32
          %mul3A_731 = arith.muli %add3A_729, %mul3A_730 : i32
          %get3A_732 = arith.index_cast %scan3A_143 : i32 to index
          %get3A_733 = arith.index_cast %mul3A_731 : i32 to index
          %get3A_734 = tpu.vector_load %arg7[%get3A_732, %get3A_733] {strides = array<i32>} : memref<8x2048xf32, #tpu.memory_space<vmem>>, vector<1x16xf32>,
          %get3A_735 = vector.shape_cast %get3A_734 : vector<1x16xf32> to vector<16xf32>
          %add3A_736 = arith.addf %add3A_723, %get3A_735 : vector<16xf32>
          %mul3A_737 = arith.mulf %get3A_735, %get3A_735 : vector<16xf32>
          %add3A_738 = arith.addf %add3A_725, %mul3A_737 : vector<16xf32>
          %mul3A_739 = arith.constant 8 : i32
          %mul3A_740 = arith.muli %while3A_697, %mul3A_739 : i32
          %add3A_741 = arith.constant 3 : i32
          %add3A_742 = arith.addi %mul3A_740, %add3A_741 : i32
          %mul3A_743 = arith.constant 16 : i32
          %mul3A_744 = arith.muli %add3A_742, %mul3A_743 : i32
          %get3A_745 = arith.index_cast %scan3A_143 : i32 to index
          %get3A_746 = arith.index_cast %mul3A_744 : i32 to index
          %get3A_747 = tpu.vector_load %arg7[%get3A_745, %get3A_746] {strides = array<i32>} : memref<8x2048xf32, #tpu.memory_space<vmem>>, vector<1x16xf32>,
          %get3A_748 = vector.shape_cast %get3A_747 : vector<1x16xf32> to vector<16xf32>
          %add3A_749 = arith.addf %add3A_736, %get3A_748 : vector<16xf32>
          %mul3A_750 = arith.mulf %get3A_748, %get3A_748 : vector<16xf32>
          %add3A_751 = arith.addf %add3A_738, %mul3A_750 : vector<16xf32>
          %mul3A_752 = arith.constant 8 : i32
          %mul3A_753 = arith.muli %while3A_697, %mul3A_752 : i32
          %add3A_754 = arith.constant 4 : i32
          %add3A_755 = arith.addi %mul3A_753, %add3A_754 : i32
          %mul3A_756 = arith.constant 16 : i32
          %mul3A_757 = arith.muli %add3A_755, %mul3A_756 : i32
          %get3A_758 = arith.index_cast %scan3A_143 : i32 to index
          %get3A_759 = arith.index_cast %mul3A_757 : i32 to index
          %get3A_760 = tpu.vector_load %arg7[%get3A_758, %get3A_759] {strides = array<i32>} : memref<8x2048xf32, #tpu.memory_space<vmem>>, vector<1x16xf32>,
          %get3A_761 = vector.shape_cast %get3A_760 : vector<1x16xf32> to vector<16xf32>
          %add3A_762 = arith.addf %add3A_749, %get3A_761 : vector<16xf32>
          %mul3A_763 = arith.mulf %get3A_761, %get3A_761 : vector<16xf32>
          %add3A_764 = arith.addf %add3A_751, %mul3A_763 : vector<16xf32>
          %mul3A_765 = arith.constant 8 : i32
          %mul3A_766 = arith.muli %while3A_697, %mul3A_765 : i32
          %add3A_767 = arith.constant 5 : i32
          %add3A_768 = arith.addi %mul3A_766, %add3A_767 : i32
          %mul3A_769 = arith.constant 16 : i32
          %mul3A_770 = arith.muli %add3A_768, %mul3A_769 : i32
          %get3A_771 = arith.index_cast %scan3A_143 : i32 to index
          %get3A_772 = arith.index_cast %mul3A_770 : i32 to index
          %get3A_773 = tpu.vector_load %arg7[%get3A_771, %get3A_772] {strides = array<i32>} : memref<8x2048xf32, #tpu.memory_space<vmem>>, vector<1x16xf32>,
          %get3A_774 = vector.shape_cast %get3A_773 : vector<1x16xf32> to vector<16xf32>
          %add3A_775 = arith.addf %add3A_762, %get3A_774 : vector<16xf32>
          %mul3A_776 = arith.mulf %get3A_774, %get3A_774 : vector<16xf32>
          %add3A_777 = arith.addf %add3A_764, %mul3A_776 : vector<16xf32>
          %mul3A_778 = arith.constant 8 : i32
          %mul3A_779 = arith.muli %while3A_697, %mul3A_778 : i32
          %add3A_780 = arith.constant 6 : i32
          %add3A_781 = arith.addi %mul3A_779, %add3A_780 : i32
          %mul3A_782 = arith.constant 16 : i32
          %mul3A_783 = arith.muli %add3A_781, %mul3A_782 : i32
          %get3A_784 = arith.index_cast %scan3A_143 : i32 to index
          %get3A_785 = arith.index_cast %mul3A_783 : i32 to index
          %get3A_786 = tpu.vector_load %arg7[%get3A_784, %get3A_785] {strides = array<i32>} : memref<8x2048xf32, #tpu.memory_space<vmem>>, vector<1x16xf32>,
          %get3A_787 = vector.shape_cast %get3A_786 : vector<1x16xf32> to vector<16xf32>
          %add3A_788 = arith.addf %add3A_775, %get3A_787 : vector<16xf32>
          %mul3A_789 = arith.mulf %get3A_787, %get3A_787 : vector<16xf32>
          %add3A_790 = arith.addf %add3A_777, %mul3A_789 : vector<16xf32>
          %mul3A_791 = arith.constant 8 : i32
          %mul3A_792 = arith.muli %while3A_697, %mul3A_791 : i32
          %add3A_793 = arith.constant 7 : i32
          %add3A_794 = arith.addi %mul3A_792, %add3A_793 : i32
          %mul3A_795 = arith.constant 16 : i32
          %mul3A_796 = arith.muli %add3A_794, %mul3A_795 : i32
          %get3A_797 = arith.index_cast %scan3A_143 : i32 to index
          %get3A_798 = arith.index_cast %mul3A_796 : i32 to index
          %get3A_799 = tpu.vector_load %arg7[%get3A_797, %get3A_798] {strides = array<i32>} : memref<8x2048xf32, #tpu.memory_space<vmem>>, vector<1x16xf32>,
          %get3A_800 = vector.shape_cast %get3A_799 : vector<1x16xf32> to vector<16xf32>
          %add3A_801 = arith.addf %add3A_788, %get3A_800 : vector<16xf32>
          %mul3A_802 = arith.mulf %get3A_800, %get3A_800 : vector<16xf32>
          %add3A_803 = arith.addf %add3A_790, %mul3A_802 : vector<16xf32>
          scf.yield %add3A_801, %add3A_803 : vector<16xf32>, vector<16xf32>
        }
        %mul3A_155 = arith.constant 8 : i32
        %mul3A_156 = arith.muli %select_n3A_121, %mul3A_155 : i32
        %add3A_157 = arith.constant 0 : i32
        %add3A_158 = arith.addi %mul3A_156, %add3A_157 : i32
        %mul3A_159 = arith.constant 16 : i32
        %mul3A_160 = arith.muli %add3A_158, %mul3A_159 : i32
        %add3A_161 = vector.broadcast %mul3A_160 : i32 to vector<16xi32>
        %add3A_162 = arith.addi %iota3A, %add3A_161 : vector<16xi32>
        %mul3A_163 = arith.constant 16 : i32
        %mul3A_164 = arith.muli %add3A_158, %mul3A_163 : i32
        %get3A_165 = arith.index_cast %scan3A_143 : i32 to index
        %get3A_166 = arith.index_cast %mul3A_164 : i32 to index
        %get3A_167 = tpu.vector_load %arg7[%get3A_165, %get3A_166] {strides = array<i32>} : memref<8x2048xf32, #tpu.memory_space<vmem>>, vector<1x16xf32>,
        %get3A_168 = vector.shape_cast %get3A_167 : vector<1x16xf32> to vector<16xf32>
        %lt3A = vector.broadcast %select_n3A_97 : i32 to vector<16xi32>
        %lt3A_169 = arith.cmpi slt, %add3A_162, %lt3A : vector<16xi32>
        %jit3A_170 = arith.constant 0.000000e+00 : f32
        %broadcast_in_dim3A_171 = vector.broadcast %jit3A_170 : f32 to vector<16xf32>
        %select_n3A_172 = arith.select %lt3A_169, %get3A_168, %broadcast_in_dim3A_171 : vector<16xi1>, vector<16xf32>
        %add3A_173 = arith.addf %while3A_154#0, %select_n3A_172 : vector<16xf32>
        %mul3A_174 = arith.mulf %select_n3A_172, %select_n3A_172 : vector<16xf32>
        %add3A_175 = arith.addf %while3A_154#1, %mul3A_174 : vector<16xf32>
        %mul3A_176 = arith.constant 8 : i32
        %mul3A_177 = arith.muli %select_n3A_121, %mul3A_176 : i32
        %add3A_178 = arith.constant 1 : i32
        %add3A_179 = arith.addi %mul3A_177, %add3A_178 : i32
        %mul3A_180 = arith.constant 16 : i32
        %mul3A_181 = arith.muli %add3A_179, %mul3A_180 : i32
        %add3A_182 = vector.broadcast %mul3A_181 : i32 to vector<16xi32>
        %add3A_183 = arith.addi %iota3A, %add3A_182 : vector<16xi32>
        %mul3A_184 = arith.constant 16 : i32
        %mul3A_185 = arith.muli %add3A_179, %mul3A_184 : i32
        %get3A_186 = arith.index_cast %scan3A_143 : i32 to index
        %get3A_187 = arith.index_cast %mul3A_185 : i32 to index
        %get3A_188 = tpu.vector_load %arg7[%get3A_186, %get3A_187] {strides = array<i32>} : memref<8x2048xf32, #tpu.memory_space<vmem>>, vector<1x16xf32>,
        %get3A_189 = vector.shape_cast %get3A_188 : vector<1x16xf32> to vector<16xf32>
        %lt3A_190 = vector.broadcast %select_n3A_97 : i32 to vector<16xi32>
        %lt3A_191 = arith.cmpi slt, %add3A_183, %lt3A_190 : vector<16xi32>
        %jit3A_192 = arith.constant 0.000000e+00 : f32
        %broadcast_in_dim3A_193 = vector.broadcast %jit3A_192 : f32 to vector<16xf32>
        %select_n3A_194 = arith.select %lt3A_191, %get3A_189, %broadcast_in_dim3A_193 : vector<16xi1>, vector<16xf32>
        %add3A_195 = arith.addf %add3A_173, %select_n3A_194 : vector<16xf32>
        %mul3A_196 = arith.mulf %select_n3A_194, %select_n3A_194 : vector<16xf32>
        %add3A_197 = arith.addf %add3A_175, %mul3A_196 : vector<16xf32>
        %mul3A_198 = arith.constant 8 : i32
        %mul3A_199 = arith.muli %select_n3A_121, %mul3A_198 : i32
        %add3A_200 = arith.constant 2 : i32
        %add3A_201 = arith.addi %mul3A_199, %add3A_200 : i32
        %mul3A_202 = arith.constant 16 : i32
        %mul3A_203 = arith.muli %add3A_201, %mul3A_202 : i32
        %add3A_204 = vector.broadcast %mul3A_203 : i32 to vector<16xi32>
        %add3A_205 = arith.addi %iota3A, %add3A_204 : vector<16xi32>
        %mul3A_206 = arith.constant 16 : i32
        %mul3A_207 = arith.muli %add3A_201, %mul3A_206 : i32
        %get3A_208 = arith.index_cast %scan3A_143 : i32 to index
        %get3A_209 = arith.index_cast %mul3A_207 : i32 to index
        %get3A_210 = tpu.vector_load %arg7[%get3A_208, %get3A_209] {strides = array<i32>} : memref<8x2048xf32, #tpu.memory_space<vmem>>, vector<1x16xf32>,
        %get3A_211 = vector.shape_cast %get3A_210 : vector<1x16xf32> to vector<16xf32>
        %lt3A_212 = vector.broadcast %select_n3A_97 : i32 to vector<16xi32>
        %lt3A_213 = arith.cmpi slt, %add3A_205, %lt3A_212 : vector<16xi32>
        %jit3A_214 = arith.constant 0.000000e+00 : f32
        %broadcast_in_dim3A_215 = vector.broadcast %jit3A_214 : f32 to vector<16xf32>
        %select_n3A_216 = arith.select %lt3A_213, %get3A_211, %broadcast_in_dim3A_215 : vector<16xi1>, vector<16xf32>
        %add3A_217 = arith.addf %add3A_195, %select_n3A_216 : vector<16xf32>
        %mul3A_218 = arith.mulf %select_n3A_216, %select_n3A_216 : vector<16xf32>
        %add3A_219 = arith.addf %add3A_197, %mul3A_218 : vector<16xf32>
        %mul3A_220 = arith.constant 8 : i32
        %mul3A_221 = arith.muli %select_n3A_121, %mul3A_220 : i32
        %add3A_222 = arith.constant 3 : i32
        %add3A_223 = arith.addi %mul3A_221, %add3A_222 : i32
        %mul3A_224 = arith.constant 16 : i32
        %mul3A_225 = arith.muli %add3A_223, %mul3A_224 : i32
        %add3A_226 = vector.broadcast %mul3A_225 : i32 to vector<16xi32>
        %add3A_227 = arith.addi %iota3A, %add3A_226 : vector<16xi32>
        %mul3A_228 = arith.constant 16 : i32
        %mul3A_229 = arith.muli %add3A_223, %mul3A_228 : i32
        %get3A_230 = arith.index_cast %scan3A_143 : i32 to index
        %get3A_231 = arith.index_cast %mul3A_229 : i32 to index
        %get3A_232 = tpu.vector_load %arg7[%get3A_230, %get3A_231] {strides = array<i32>} : memref<8x2048xf32, #tpu.memory_space<vmem>>, vector<1x16xf32>,
        %get3A_233 = vector.shape_cast %get3A_232 : vector<1x16xf32> to vector<16xf32>
        %lt3A_234 = vector.broadcast %select_n3A_97 : i32 to vector<16xi32>
        %lt3A_235 = arith.cmpi slt, %add3A_227, %lt3A_234 : vector<16xi32>
        %jit3A_236 = arith.constant 0.000000e+00 : f32
        %broadcast_in_dim3A_237 = vector.broadcast %jit3A_236 : f32 to vector<16xf32>
        %select_n3A_238 = arith.select %lt3A_235, %get3A_233, %broadcast_in_dim3A_237 : vector<16xi1>, vector<16xf32>
        %add3A_239 = arith.addf %add3A_217, %select_n3A_238 : vector<16xf32>
        %mul3A_240 = arith.mulf %select_n3A_238, %select_n3A_238 : vector<16xf32>
        %add3A_241 = arith.addf %add3A_219, %mul3A_240 : vector<16xf32>
        %mul3A_242 = arith.constant 8 : i32
        %mul3A_243 = arith.muli %select_n3A_121, %mul3A_242 : i32
        %add3A_244 = arith.constant 4 : i32
        %add3A_245 = arith.addi %mul3A_243, %add3A_244 : i32
        %mul3A_246 = arith.constant 16 : i32
        %mul3A_247 = arith.muli %add3A_245, %mul3A_246 : i32
        %add3A_248 = vector.broadcast %mul3A_247 : i32 to vector<16xi32>
        %add3A_249 = arith.addi %iota3A, %add3A_248 : vector<16xi32>
        %mul3A_250 = arith.constant 16 : i32
        %mul3A_251 = arith.muli %add3A_245, %mul3A_250 : i32
        %get3A_252 = arith.index_cast %scan3A_143 : i32 to index
        %get3A_253 = arith.index_cast %mul3A_251 : i32 to index
        %get3A_254 = tpu.vector_load %arg7[%get3A_252, %get3A_253] {strides = array<i32>} : memref<8x2048xf32, #tpu.memory_space<vmem>>, vector<1x16xf32>,
        %get3A_255 = vector.shape_cast %get3A_254 : vector<1x16xf32> to vector<16xf32>
        %lt3A_256 = vector.broadcast %select_n3A_97 : i32 to vector<16xi32>
        %lt3A_257 = arith.cmpi slt, %add3A_249, %lt3A_256 : vector<16xi32>
        %jit3A_258 = arith.constant 0.000000e+00 : f32
        %broadcast_in_dim3A_259 = vector.broadcast %jit3A_258 : f32 to vector<16xf32>
        %select_n3A_260 = arith.select %lt3A_257, %get3A_255, %broadcast_in_dim3A_259 : vector<16xi1>, vector<16xf32>
        %add3A_261 = arith.addf %add3A_239, %select_n3A_260 : vector<16xf32>
        %mul3A_262 = arith.mulf %select_n3A_260, %select_n3A_260 : vector<16xf32>
        %add3A_263 = arith.addf %add3A_241, %mul3A_262 : vector<16xf32>
        %mul3A_264 = arith.constant 8 : i32
        %mul3A_265 = arith.muli %select_n3A_121, %mul3A_264 : i32
        %add3A_266 = arith.constant 5 : i32
        %add3A_267 = arith.addi %mul3A_265, %add3A_266 : i32
        %mul3A_268 = arith.constant 16 : i32
        %mul3A_269 = arith.muli %add3A_267, %mul3A_268 : i32
        %add3A_270 = vector.broadcast %mul3A_269 : i32 to vector<16xi32>
        %add3A_271 = arith.addi %iota3A, %add3A_270 : vector<16xi32>
        %mul3A_272 = arith.constant 16 : i32
        %mul3A_273 = arith.muli %add3A_267, %mul3A_272 : i32
        %get3A_274 = arith.index_cast %scan3A_143 : i32 to index
        %get3A_275 = arith.index_cast %mul3A_273 : i32 to index
        %get3A_276 = tpu.vector_load %arg7[%get3A_274, %get3A_275] {strides = array<i32>} : memref<8x2048xf32, #tpu.memory_space<vmem>>, vector<1x16xf32>,
        %get3A_277 = vector.shape_cast %get3A_276 : vector<1x16xf32> to vector<16xf32>
        %lt3A_278 = vector.broadcast %select_n3A_97 : i32 to vector<16xi32>
        %lt3A_279 = arith.cmpi slt, %add3A_271, %lt3A_278 : vector<16xi32>
        %jit3A_280 = arith.constant 0.000000e+00 : f32
        %broadcast_in_dim3A_281 = vector.broadcast %jit3A_280 : f32 to vector<16xf32>
        %select_n3A_282 = arith.select %lt3A_279, %get3A_277, %broadcast_in_dim3A_281 : vector<16xi1>, vector<16xf32>
        %add3A_283 = arith.addf %add3A_261, %select_n3A_282 : vector<16xf32>
        %mul3A_284 = arith.mulf %select_n3A_282, %select_n3A_282 : vector<16xf32>
        %add3A_285 = arith.addf %add3A_263, %mul3A_284 : vector<16xf32>
        %mul3A_286 = arith.constant 8 : i32
        %mul3A_287 = arith.muli %select_n3A_121, %mul3A_286 : i32
        %add3A_288 = arith.constant 6 : i32
        %add3A_289 = arith.addi %mul3A_287, %add3A_288 : i32
        %mul3A_290 = arith.constant 16 : i32
        %mul3A_291 = arith.muli %add3A_289, %mul3A_290 : i32
        %add3A_292 = vector.broadcast %mul3A_291 : i32 to vector<16xi32>
        %add3A_293 = arith.addi %iota3A, %add3A_292 : vector<16xi32>
        %mul3A_294 = arith.constant 16 : i32
        %mul3A_295 = arith.muli %add3A_289, %mul3A_294 : i32
        %get3A_296 = arith.index_cast %scan3A_143 : i32 to index
        %get3A_297 = arith.index_cast %mul3A_295 : i32 to index
        %get3A_298 = tpu.vector_load %arg7[%get3A_296, %get3A_297] {strides = array<i32>} : memref<8x2048xf32, #tpu.memory_space<vmem>>, vector<1x16xf32>,
        %get3A_299 = vector.shape_cast %get3A_298 : vector<1x16xf32> to vector<16xf32>
        %lt3A_300 = vector.broadcast %select_n3A_97 : i32 to vector<16xi32>
        %lt3A_301 = arith.cmpi slt, %add3A_293, %lt3A_300 : vector<16xi32>
        %jit3A_302 = arith.constant 0.000000e+00 : f32
        %broadcast_in_dim3A_303 = vector.broadcast %jit3A_302 : f32 to vector<16xf32>
        %select_n3A_304 = arith.select %lt3A_301, %get3A_299, %broadcast_in_dim3A_303 : vector<16xi1>, vector<16xf32>
        %add3A_305 = arith.addf %add3A_283, %select_n3A_304 : vector<16xf32>
        %mul3A_306 = arith.mulf %select_n3A_304, %select_n3A_304 : vector<16xf32>
        %add3A_307 = arith.addf %add3A_285, %mul3A_306 : vector<16xf32>
        %mul3A_308 = arith.constant 8 : i32
        %mul3A_309 = arith.muli %select_n3A_121, %mul3A_308 : i32
        %add3A_310 = arith.constant 7 : i32
        %add3A_311 = arith.addi %mul3A_309, %add3A_310 : i32
        %mul3A_312 = arith.constant 16 : i32
        %mul3A_313 = arith.muli %add3A_311, %mul3A_312 : i32
        %add3A_314 = vector.broadcast %mul3A_313 : i32 to vector<16xi32>
        %add3A_315 = arith.addi %iota3A, %add3A_314 : vector<16xi32>
        %mul3A_316 = arith.constant 16 : i32
        %mul3A_317 = arith.muli %add3A_311, %mul3A_316 : i32
        %get3A_318 = arith.index_cast %scan3A_143 : i32 to index
        %get3A_319 = arith.index_cast %mul3A_317 : i32 to index
        %get3A_320 = tpu.vector_load %arg7[%get3A_318, %get3A_319] {strides = array<i32>} : memref<8x2048xf32, #tpu.memory_space<vmem>>, vector<1x16xf32>,
        %get3A_321 = vector.shape_cast %get3A_320 : vector<1x16xf32> to vector<16xf32>
        %lt3A_322 = vector.broadcast %select_n3A_97 : i32 to vector<16xi32>
        %lt3A_323 = arith.cmpi slt, %add3A_315, %lt3A_322 : vector<16xi32>
        %jit3A_324 = arith.constant 0.000000e+00 : f32
        %broadcast_in_dim3A_325 = vector.broadcast %jit3A_324 : f32 to vector<16xf32>
        %select_n3A_326 = arith.select %lt3A_323, %get3A_321, %broadcast_in_dim3A_325 : vector<16xi1>, vector<16xf32>
        %add3A_327 = arith.addf %add3A_305, %select_n3A_326 : vector<16xf32>
        %mul3A_328 = arith.mulf %select_n3A_326, %select_n3A_326 : vector<16xf32>
        %add3A_329 = arith.addf %add3A_307, %mul3A_328 : vector<16xf32>
        %xor3A = arith.constant 8 : i32
        %xor3A_330 = vector.broadcast %xor3A : i32 to vector<16xi32>
        %xor3A_331 = arith.xori %iota3A, %xor3A_330 : vector<16xi32>
        %broadcast_in_dim3A_332 = vector.shape_cast %xor3A_331 : vector<16xi32> to vector<16x1xi32>
        %gather3A = vector.shape_cast %broadcast_in_dim3A_332 : vector<16x1xi32> to vector<16xi32>
        %gather3A_333 = tpu.dynamic_gather %add3A_327[%gather3A] in [0] : vector<16xf32>, vector<16xi32> -> vector<16xf32>
        %add3A_334 = arith.addf %add3A_327, %gather3A_333 : vector<16xf32>
        %broadcast_in_dim3A_335 = vector.shape_cast %xor3A_331 : vector<16xi32> to vector<16x1xi32>
        %gather3A_336 = vector.shape_cast %broadcast_in_dim3A_335 : vector<16x1xi32> to vector<16xi32>
        %gather3A_337 = tpu.dynamic_gather %add3A_329[%gather3A_336] in [0] : vector<16xf32>, vector<16xi32> -> vector<16xf32>
        %add3A_338 = arith.addf %add3A_329, %gather3A_337 : vector<16xf32>
        %xor3A_339 = arith.constant 4 : i32
        %xor3A_340 = vector.broadcast %xor3A_339 : i32 to vector<16xi32>
        %xor3A_341 = arith.xori %iota3A, %xor3A_340 : vector<16xi32>
        %broadcast_in_dim3A_342 = vector.shape_cast %xor3A_341 : vector<16xi32> to vector<16x1xi32>
        %gather3A_343 = vector.shape_cast %broadcast_in_dim3A_342 : vector<16x1xi32> to vector<16xi32>
        %gather3A_344 = tpu.dynamic_gather %add3A_334[%gather3A_343] in [0] : vector<16xf32>, vector<16xi32> -> vector<16xf32>
        %add3A_345 = arith.addf %add3A_334, %gather3A_344 : vector<16xf32>
        %broadcast_in_dim3A_346 = vector.shape_cast %xor3A_341 : vector<16xi32> to vector<16x1xi32>
        %gather3A_347 = vector.shape_cast %broadcast_in_dim3A_346 : vector<16x1xi32> to vector<16xi32>
        %gather3A_348 = tpu.dynamic_gather %add3A_338[%gather3A_347] in [0] : vector<16xf32>, vector<16xi32> -> vector<16xf32>
        %add3A_349 = arith.addf %add3A_338, %gather3A_348 : vector<16xf32>
        %xor3A_350 = arith.constant 2 : i32
        %xor3A_351 = vector.broadcast %xor3A_350 : i32 to vector<16xi32>
        %xor3A_352 = arith.xori %iota3A, %xor3A_351 : vector<16xi32>
        %broadcast_in_dim3A_353 = vector.shape_cast %xor3A_352 : vector<16xi32> to vector<16x1xi32>
        %gather3A_354 = vector.shape_cast %broadcast_in_dim3A_353 : vector<16x1xi32> to vector<16xi32>
        %gather3A_355 = tpu.dynamic_gather %add3A_345[%gather3A_354] in [0] : vector<16xf32>, vector<16xi32> -> vector<16xf32>
        %add3A_356 = arith.addf %add3A_345, %gather3A_355 : vector<16xf32>
        %broadcast_in_dim3A_357 = vector.shape_cast %xor3A_352 : vector<16xi32> to vector<16x1xi32>
        %gather3A_358 = vector.shape_cast %broadcast_in_dim3A_357 : vector<16x1xi32> to vector<16xi32>
        %gather3A_359 = tpu.dynamic_gather %add3A_349[%gather3A_358] in [0] : vector<16xf32>, vector<16xi32> -> vector<16xf32>
        %add3A_360 = arith.addf %add3A_349, %gather3A_359 : vector<16xf32>
        %xor3A_361 = arith.constant 1 : i32
        %xor3A_362 = vector.broadcast %xor3A_361 : i32 to vector<16xi32>
        %xor3A_363 = arith.xori %iota3A, %xor3A_362 : vector<16xi32>
        %broadcast_in_dim3A_364 = vector.shape_cast %xor3A_363 : vector<16xi32> to vector<16x1xi32>
        %gather3A_365 = vector.shape_cast %broadcast_in_dim3A_364 : vector<16x1xi32> to vector<16xi32>
        %gather3A_366 = tpu.dynamic_gather %add3A_356[%gather3A_365] in [0] : vector<16xf32>, vector<16xi32> -> vector<16xf32>
        %add3A_367 = arith.addf %add3A_356, %gather3A_366 : vector<16xf32>
        %broadcast_in_dim3A_368 = vector.shape_cast %xor3A_363 : vector<16xi32> to vector<16x1xi32>
        %gather3A_369 = vector.shape_cast %broadcast_in_dim3A_368 : vector<16x1xi32> to vector<16xi32>
        %gather3A_370 = tpu.dynamic_gather %add3A_360[%gather3A_369] in [0] : vector<16xf32>, vector<16xi32> -> vector<16xf32>
        %add3A_371 = arith.addf %add3A_360, %gather3A_370 : vector<16xf32>
        %div3A_372 = vector.broadcast %convert_element_type3A : f32 to vector<16xf32>
        %div3A_373 = arith.divf %add3A_367, %div3A_372 : vector<16xf32>
        %mul3A_374 = vector.broadcast %convert_element_type3A : f32 to vector<16xf32>
        %mul3A_375 = arith.mulf %mul3A_374, %div3A_373 : vector<16xf32>
        %mul3A_376 = arith.mulf %mul3A_375, %div3A_373 : vector<16xf32>
        %sub3A_377 = arith.subf %add3A_371, %mul3A_376 : vector<16xf32>
        %sub3A_378 = arith.constant 1.000000e+00 : f32
        %sub3A_379 = arith.subf %convert_element_type3A, %sub3A_378 : f32
        %div3A_380 = vector.broadcast %sub3A_379 : f32 to vector<16xf32>
        %div3A_381 = arith.divf %sub3A_377, %div3A_380 : vector<16xf32>
        %max3A = arith.constant 1.000000e-30 : f32
        %max3A_382 = vector.broadcast %max3A : f32 to vector<16xf32>
        %max3A_383 = arith.maximumf %div3A_381, %max3A_382 : vector<16xf32>
        %swap3A = arith.constant 0 : i32
        %swap3A_384 = tpu.memref_bitcast %arg6 : memref<1x16xi32, #tpu.memory_space<vmem>> -> memref<1x16xf32, #tpu.memory_space<vmem>>
        %swap3A_385 = arith.index_cast %swap3A : i32 to index
        %swap3A_386 = arith.constant 0 : index
        %swap3A_387 = tpu.vector_load %swap3A_384[%swap3A_385, %swap3A_386] {strides = array<i32>} : memref<1x16xf32, #tpu.memory_space<vmem>>, vector<1x16xf32>,
        %swap3A_388 = vector.shape_cast %swap3A_387 : vector<1x16xf32> to vector<16xf32>
        %swap3A_389 = vector.shape_cast %max3A_383 : vector<16xf32> to vector<1x16xf32>
        tpu.vector_store %swap3A_384[%swap3A_385, %swap3A_386], %swap3A_389 {strides = array<i32>} : memref<1x16xf32, #tpu.memory_space<vmem>>, vector<1x16xf32>,
        %get3A_390 = arith.constant 0 : i32
        %get3A_391 = arith.index_cast %get3A_390 : i32 to index
        %get3A_392 = arith.constant 0 : index
        %get3A_393 = tpu.vector_load %arg6[%get3A_391, %get3A_392] {strides = array<i32>} : memref<1x16xi32, #tpu.memory_space<vmem>>, vector<1x16xi32>,
        %get3A_394 = vector.shape_cast %get3A_393 : vector<1x16xi32> to vector<16xi32>
        %shift_right_logical3A = arith.constant 1 : i32
        %shift_right_logical3A_395 = vector.broadcast %shift_right_logical3A : i32 to vector<16xi32>
        %shift_right_logical3A_396 = arith.shrui %get3A_394, %shift_right_logical3A_395 : vector<16xi32>
        %sub3A_397 = arith.constant 1597463007 : i32
        %sub3A_398 = vector.broadcast %sub3A_397 : i32 to vector<16xi32>
        %sub3A_399 = arith.subi %sub3A_398, %shift_right_logical3A_396 : vector<16xi32>
        %swap3A_400 = arith.constant 0 : i32
        %swap3A_401 = arith.index_cast %swap3A_400 : i32 to index
        %swap3A_402 = arith.constant 0 : index
        %swap3A_403 = tpu.vector_load %arg6[%swap3A_401, %swap3A_402] {strides = array<i32>} : memref<1x16xi32, #tpu.memory_space<vmem>>, vector<1x16xi32>,
        %swap3A_404 = vector.shape_cast %swap3A_403 : vector<1x16xi32> to vector<16xi32>
        %swap3A_405 = vector.shape_cast %sub3A_399 : vector<16xi32> to vector<1x16xi32>
        tpu.vector_store %arg6[%swap3A_401, %swap3A_402], %swap3A_405 {strides = array<i32>} : memref<1x16xi32, #tpu.memory_space<vmem>>, vector<1x16xi32>,
        %get3A_406 = arith.constant 0 : i32
        %get3A_407 = tpu.memref_bitcast %arg6 : memref<1x16xi32, #tpu.memory_space<vmem>> -> memref<1x16xf32, #tpu.memory_space<vmem>>
        %get3A_408 = arith.index_cast %get3A_406 : i32 to index
        %get3A_409 = arith.constant 0 : index
        %get3A_410 = tpu.vector_load %get3A_407[%get3A_408, %get3A_409] {strides = array<i32>} : memref<1x16xf32, #tpu.memory_space<vmem>>, vector<1x16xf32>,
        %get3A_411 = vector.shape_cast %get3A_410 : vector<1x16xf32> to vector<16xf32>
        %mul3A_412 = arith.constant 5.000000e-01 : f32
        %mul3A_413 = vector.broadcast %mul3A_412 : f32 to vector<16xf32>
        %mul3A_414 = arith.mulf %mul3A_413, %max3A_383 : vector<16xf32>
        %mul3A_415 = arith.mulf %mul3A_414, %get3A_411 : vector<16xf32>
        %mul3A_416 = arith.mulf %mul3A_415, %get3A_411 : vector<16xf32>
        %sub3A_417 = arith.constant 1.500000e+00 : f32
        %sub3A_418 = vector.broadcast %sub3A_417 : f32 to vector<16xf32>
        %sub3A_419 = arith.subf %sub3A_418, %mul3A_416 : vector<16xf32>
        %mul3A_420 = arith.mulf %get3A_411, %sub3A_419 : vector<16xf32>
        %mul3A_421 = arith.constant 5.000000e-01 : f32
        %mul3A_422 = vector.broadcast %mul3A_421 : f32 to vector<16xf32>
        %mul3A_423 = arith.mulf %mul3A_422, %max3A_383 : vector<16xf32>
        %mul3A_424 = arith.mulf %mul3A_423, %mul3A_420 : vector<16xf32>
        %mul3A_425 = arith.mulf %mul3A_424, %mul3A_420 : vector<16xf32>
        %sub3A_426 = arith.constant 1.500000e+00 : f32
        %sub3A_427 = vector.broadcast %sub3A_426 : f32 to vector<16xf32>
        %sub3A_428 = arith.subf %sub3A_427, %mul3A_425 : vector<16xf32>
        %mul3A_429 = arith.mulf %mul3A_420, %sub3A_428 : vector<16xf32>
        %mul3A_430 = arith.constant 5.000000e-01 : f32
        %mul3A_431 = vector.broadcast %mul3A_430 : f32 to vector<16xf32>
        %mul3A_432 = arith.mulf %mul3A_431, %max3A_383 : vector<16xf32>
        %mul3A_433 = arith.mulf %mul3A_432, %mul3A_429 : vector<16xf32>
        %mul3A_434 = arith.mulf %mul3A_433, %mul3A_429 : vector<16xf32>
        %sub3A_435 = arith.constant 1.500000e+00 : f32
        %sub3A_436 = vector.broadcast %sub3A_435 : f32 to vector<16xf32>
        %sub3A_437 = arith.subf %sub3A_436, %mul3A_434 : vector<16xf32>
        %mul3A_438 = arith.mulf %mul3A_429, %sub3A_437 : vector<16xf32>
        %mul3A_439 = arith.mulf %max3A_383, %mul3A_438 : vector<16xf32>
        %add3A_440 = arith.constant 9.99999974E-6 : f32
        %add3A_441 = vector.broadcast %add3A_440 : f32 to vector<16xf32>
        %add3A_442 = arith.addf %mul3A_439, %add3A_441 : vector<16xf32>
        %div3A_443 = arith.constant 1.000000e+00 : f32
        %div3A_444 = vector.broadcast %div3A_443 : f32 to vector<16xf32>
        %div3A_445 = arith.divf %div3A_444, %add3A_442 : vector<16xf32>
        %while3A_446 = arith.constant 0 : i32
        %while3A_447 = arith.constant 0 : i32
        %while3A_448 = arith.subi %select_n3A_121, %while3A_446 : i32
        %while3A_449 = arith.addi %while3A_446, %while3A_448 : i32
        %while3A_450 = arith.constant 1 : i32
        %while3A_451 = arith.divsi %while3A_448, %while3A_450 : i32
        %while3A_452 = arith.muli %while3A_451, %while3A_450 : i32
        %while3A_453 = arith.addi %while3A_446, %while3A_452 : i32
        %while3A_454 = arith.constant 1 : i32
        %while3A_455 = scf.for %while3A_697 = %while3A_446 to %while3A_453 step %while3A_454 iter_args(%while3A_698 = %while3A_447) -> (i32)  : i32 {
          %mul3A_699 = arith.constant 8 : i32
          %mul3A_700 = arith.muli %while3A_697, %mul3A_699 : i32
          %add3A_701 = arith.constant 0 : i32
          %add3A_702 = arith.addi %mul3A_700, %add3A_701 : i32
          %mul3A_703 = arith.constant 16 : i32
          %mul3A_704 = arith.muli %add3A_702, %mul3A_703 : i32
          %get3A_705 = arith.index_cast %scan3A_143 : i32 to index
          %get3A_706 = arith.index_cast %mul3A_704 : i32 to index
          %get3A_707 = tpu.vector_load %arg7[%get3A_705, %get3A_706] {strides = array<i32>} : memref<8x2048xf32, #tpu.memory_space<vmem>>, vector<1x16xf32>,
          %get3A_708 = vector.shape_cast %get3A_707 : vector<1x16xf32> to vector<16xf32>
          %sub3A_709 = arith.subf %get3A_708, %div3A_373 : vector<16xf32>
          %mul3A_710 = arith.mulf %sub3A_709, %div3A_445 : vector<16xf32>
          %mul3A_711 = arith.constant 16 : i32
          %mul3A_712 = arith.muli %add3A_702, %mul3A_711 : i32
          %swap3A_713 = arith.index_cast %scan3A_143 : i32 to index
          %swap3A_714 = arith.index_cast %mul3A_712 : i32 to index
          %swap3A_715 = tpu.vector_load %arg7[%swap3A_713, %swap3A_714] {strides = array<i32>} : memref<8x2048xf32, #tpu.memory_space<vmem>>, vector<1x16xf32>,
          %swap3A_716 = vector.shape_cast %swap3A_715 : vector<1x16xf32> to vector<16xf32>
          %swap3A_717 = vector.shape_cast %mul3A_710 : vector<16xf32> to vector<1x16xf32>
          tpu.vector_store %arg7[%swap3A_713, %swap3A_714], %swap3A_717 {strides = array<i32>} : memref<8x2048xf32, #tpu.memory_space<vmem>>, vector<1x16xf32>,
          %mul3A_718 = arith.constant 8 : i32
          %mul3A_719 = arith.muli %while3A_697, %mul3A_718 : i32
          %add3A_720 = arith.constant 1 : i32
          %add3A_721 = arith.addi %mul3A_719, %add3A_720 : i32
          %mul3A_722 = arith.constant 16 : i32
          %mul3A_723 = arith.muli %add3A_721, %mul3A_722 : i32
          %get3A_724 = arith.index_cast %scan3A_143 : i32 to index
          %get3A_725 = arith.index_cast %mul3A_723 : i32 to index
          %get3A_726 = tpu.vector_load %arg7[%get3A_724, %get3A_725] {strides = array<i32>} : memref<8x2048xf32, #tpu.memory_space<vmem>>, vector<1x16xf32>,
          %get3A_727 = vector.shape_cast %get3A_726 : vector<1x16xf32> to vector<16xf32>
          %sub3A_728 = arith.subf %get3A_727, %div3A_373 : vector<16xf32>
          %mul3A_729 = arith.mulf %sub3A_728, %div3A_445 : vector<16xf32>
          %mul3A_730 = arith.constant 16 : i32
          %mul3A_731 = arith.muli %add3A_721, %mul3A_730 : i32
          %swap3A_732 = arith.index_cast %scan3A_143 : i32 to index
          %swap3A_733 = arith.index_cast %mul3A_731 : i32 to index
          %swap3A_734 = tpu.vector_load %arg7[%swap3A_732, %swap3A_733] {strides = array<i32>} : memref<8x2048xf32, #tpu.memory_space<vmem>>, vector<1x16xf32>,
          %swap3A_735 = vector.shape_cast %swap3A_734 : vector<1x16xf32> to vector<16xf32>
          %swap3A_736 = vector.shape_cast %mul3A_729 : vector<16xf32> to vector<1x16xf32>
          tpu.vector_store %arg7[%swap3A_732, %swap3A_733], %swap3A_736 {strides = array<i32>} : memref<8x2048xf32, #tpu.memory_space<vmem>>, vector<1x16xf32>,
          %mul3A_737 = arith.constant 8 : i32
          %mul3A_738 = arith.muli %while3A_697, %mul3A_737 : i32
          %add3A_739 = arith.constant 2 : i32
          %add3A_740 = arith.addi %mul3A_738, %add3A_739 : i32
          %mul3A_741 = arith.constant 16 : i32
          %mul3A_742 = arith.muli %add3A_740, %mul3A_741 : i32
          %get3A_743 = arith.index_cast %scan3A_143 : i32 to index
          %get3A_744 = arith.index_cast %mul3A_742 : i32 to index
          %get3A_745 = tpu.vector_load %arg7[%get3A_743, %get3A_744] {strides = array<i32>} : memref<8x2048xf32, #tpu.memory_space<vmem>>, vector<1x16xf32>,
          %get3A_746 = vector.shape_cast %get3A_745 : vector<1x16xf32> to vector<16xf32>
          %sub3A_747 = arith.subf %get3A_746, %div3A_373 : vector<16xf32>
          %mul3A_748 = arith.mulf %sub3A_747, %div3A_445 : vector<16xf32>
          %mul3A_749 = arith.constant 16 : i32
          %mul3A_750 = arith.muli %add3A_740, %mul3A_749 : i32
          %swap3A_751 = arith.index_cast %scan3A_143 : i32 to index
          %swap3A_752 = arith.index_cast %mul3A_750 : i32 to index
          %swap3A_753 = tpu.vector_load %arg7[%swap3A_751, %swap3A_752] {strides = array<i32>} : memref<8x2048xf32, #tpu.memory_space<vmem>>, vector<1x16xf32>,
          %swap3A_754 = vector.shape_cast %swap3A_753 : vector<1x16xf32> to vector<16xf32>
          %swap3A_755 = vector.shape_cast %mul3A_748 : vector<16xf32> to vector<1x16xf32>
          tpu.vector_store %arg7[%swap3A_751, %swap3A_752], %swap3A_755 {strides = array<i32>} : memref<8x2048xf32, #tpu.memory_space<vmem>>, vector<1x16xf32>,
          %mul3A_756 = arith.constant 8 : i32
          %mul3A_757 = arith.muli %while3A_697, %mul3A_756 : i32
          %add3A_758 = arith.constant 3 : i32
          %add3A_759 = arith.addi %mul3A_757, %add3A_758 : i32
          %mul3A_760 = arith.constant 16 : i32
          %mul3A_761 = arith.muli %add3A_759, %mul3A_760 : i32
          %get3A_762 = arith.index_cast %scan3A_143 : i32 to index
          %get3A_763 = arith.index_cast %mul3A_761 : i32 to index
          %get3A_764 = tpu.vector_load %arg7[%get3A_762, %get3A_763] {strides = array<i32>} : memref<8x2048xf32, #tpu.memory_space<vmem>>, vector<1x16xf32>,
          %get3A_765 = vector.shape_cast %get3A_764 : vector<1x16xf32> to vector<16xf32>
          %sub3A_766 = arith.subf %get3A_765, %div3A_373 : vector<16xf32>
          %mul3A_767 = arith.mulf %sub3A_766, %div3A_445 : vector<16xf32>
          %mul3A_768 = arith.constant 16 : i32
          %mul3A_769 = arith.muli %add3A_759, %mul3A_768 : i32
          %swap3A_770 = arith.index_cast %scan3A_143 : i32 to index
          %swap3A_771 = arith.index_cast %mul3A_769 : i32 to index
          %swap3A_772 = tpu.vector_load %arg7[%swap3A_770, %swap3A_771] {strides = array<i32>} : memref<8x2048xf32, #tpu.memory_space<vmem>>, vector<1x16xf32>,
          %swap3A_773 = vector.shape_cast %swap3A_772 : vector<1x16xf32> to vector<16xf32>
          %swap3A_774 = vector.shape_cast %mul3A_767 : vector<16xf32> to vector<1x16xf32>
          tpu.vector_store %arg7[%swap3A_770, %swap3A_771], %swap3A_774 {strides = array<i32>} : memref<8x2048xf32, #tpu.memory_space<vmem>>, vector<1x16xf32>,
          %mul3A_775 = arith.constant 8 : i32
          %mul3A_776 = arith.muli %while3A_697, %mul3A_775 : i32
          %add3A_777 = arith.constant 4 : i32
          %add3A_778 = arith.addi %mul3A_776, %add3A_777 : i32
          %mul3A_779 = arith.constant 16 : i32
          %mul3A_780 = arith.muli %add3A_778, %mul3A_779 : i32
          %get3A_781 = arith.index_cast %scan3A_143 : i32 to index
          %get3A_782 = arith.index_cast %mul3A_780 : i32 to index
          %get3A_783 = tpu.vector_load %arg7[%get3A_781, %get3A_782] {strides = array<i32>} : memref<8x2048xf32, #tpu.memory_space<vmem>>, vector<1x16xf32>,
          %get3A_784 = vector.shape_cast %get3A_783 : vector<1x16xf32> to vector<16xf32>
          %sub3A_785 = arith.subf %get3A_784, %div3A_373 : vector<16xf32>
          %mul3A_786 = arith.mulf %sub3A_785, %div3A_445 : vector<16xf32>
          %mul3A_787 = arith.constant 16 : i32
          %mul3A_788 = arith.muli %add3A_778, %mul3A_787 : i32
          %swap3A_789 = arith.index_cast %scan3A_143 : i32 to index
          %swap3A_790 = arith.index_cast %mul3A_788 : i32 to index
          %swap3A_791 = tpu.vector_load %arg7[%swap3A_789, %swap3A_790] {strides = array<i32>} : memref<8x2048xf32, #tpu.memory_space<vmem>>, vector<1x16xf32>,
          %swap3A_792 = vector.shape_cast %swap3A_791 : vector<1x16xf32> to vector<16xf32>
          %swap3A_793 = vector.shape_cast %mul3A_786 : vector<16xf32> to vector<1x16xf32>
          tpu.vector_store %arg7[%swap3A_789, %swap3A_790], %swap3A_793 {strides = array<i32>} : memref<8x2048xf32, #tpu.memory_space<vmem>>, vector<1x16xf32>,
          %mul3A_794 = arith.constant 8 : i32
          %mul3A_795 = arith.muli %while3A_697, %mul3A_794 : i32
          %add3A_796 = arith.constant 5 : i32
          %add3A_797 = arith.addi %mul3A_795, %add3A_796 : i32
          %mul3A_798 = arith.constant 16 : i32
          %mul3A_799 = arith.muli %add3A_797, %mul3A_798 : i32
          %get3A_800 = arith.index_cast %scan3A_143 : i32 to index
          %get3A_801 = arith.index_cast %mul3A_799 : i32 to index
          %get3A_802 = tpu.vector_load %arg7[%get3A_800, %get3A_801] {strides = array<i32>} : memref<8x2048xf32, #tpu.memory_space<vmem>>, vector<1x16xf32>,
          %get3A_803 = vector.shape_cast %get3A_802 : vector<1x16xf32> to vector<16xf32>
          %sub3A_804 = arith.subf %get3A_803, %div3A_373 : vector<16xf32>
          %mul3A_805 = arith.mulf %sub3A_804, %div3A_445 : vector<16xf32>
          %mul3A_806 = arith.constant 16 : i32
          %mul3A_807 = arith.muli %add3A_797, %mul3A_806 : i32
          %swap3A_808 = arith.index_cast %scan3A_143 : i32 to index
          %swap3A_809 = arith.index_cast %mul3A_807 : i32 to index
          %swap3A_810 = tpu.vector_load %arg7[%swap3A_808, %swap3A_809] {strides = array<i32>} : memref<8x2048xf32, #tpu.memory_space<vmem>>, vector<1x16xf32>,
          %swap3A_811 = vector.shape_cast %swap3A_810 : vector<1x16xf32> to vector<16xf32>
          %swap3A_812 = vector.shape_cast %mul3A_805 : vector<16xf32> to vector<1x16xf32>
          tpu.vector_store %arg7[%swap3A_808, %swap3A_809], %swap3A_812 {strides = array<i32>} : memref<8x2048xf32, #tpu.memory_space<vmem>>, vector<1x16xf32>,
          %mul3A_813 = arith.constant 8 : i32
          %mul3A_814 = arith.muli %while3A_697, %mul3A_813 : i32
          %add3A_815 = arith.constant 6 : i32
          %add3A_816 = arith.addi %mul3A_814, %add3A_815 : i32
          %mul3A_817 = arith.constant 16 : i32
          %mul3A_818 = arith.muli %add3A_816, %mul3A_817 : i32
          %get3A_819 = arith.index_cast %scan3A_143 : i32 to index
          %get3A_820 = arith.index_cast %mul3A_818 : i32 to index
          %get3A_821 = tpu.vector_load %arg7[%get3A_819, %get3A_820] {strides = array<i32>} : memref<8x2048xf32, #tpu.memory_space<vmem>>, vector<1x16xf32>,
          %get3A_822 = vector.shape_cast %get3A_821 : vector<1x16xf32> to vector<16xf32>
          %sub3A_823 = arith.subf %get3A_822, %div3A_373 : vector<16xf32>
          %mul3A_824 = arith.mulf %sub3A_823, %div3A_445 : vector<16xf32>
          %mul3A_825 = arith.constant 16 : i32
          %mul3A_826 = arith.muli %add3A_816, %mul3A_825 : i32
          %swap3A_827 = arith.index_cast %scan3A_143 : i32 to index
          %swap3A_828 = arith.index_cast %mul3A_826 : i32 to index
          %swap3A_829 = tpu.vector_load %arg7[%swap3A_827, %swap3A_828] {strides = array<i32>} : memref<8x2048xf32, #tpu.memory_space<vmem>>, vector<1x16xf32>,
          %swap3A_830 = vector.shape_cast %swap3A_829 : vector<1x16xf32> to vector<16xf32>
          %swap3A_831 = vector.shape_cast %mul3A_824 : vector<16xf32> to vector<1x16xf32>
          tpu.vector_store %arg7[%swap3A_827, %swap3A_828], %swap3A_831 {strides = array<i32>} : memref<8x2048xf32, #tpu.memory_space<vmem>>, vector<1x16xf32>,
          %mul3A_832 = arith.constant 8 : i32
          %mul3A_833 = arith.muli %while3A_697, %mul3A_832 : i32
          %add3A_834 = arith.constant 7 : i32
          %add3A_835 = arith.addi %mul3A_833, %add3A_834 : i32
          %mul3A_836 = arith.constant 16 : i32
          %mul3A_837 = arith.muli %add3A_835, %mul3A_836 : i32
          %get3A_838 = arith.index_cast %scan3A_143 : i32 to index
          %get3A_839 = arith.index_cast %mul3A_837 : i32 to index
          %get3A_840 = tpu.vector_load %arg7[%get3A_838, %get3A_839] {strides = array<i32>} : memref<8x2048xf32, #tpu.memory_space<vmem>>, vector<1x16xf32>,
          %get3A_841 = vector.shape_cast %get3A_840 : vector<1x16xf32> to vector<16xf32>
          %sub3A_842 = arith.subf %get3A_841, %div3A_373 : vector<16xf32>
          %mul3A_843 = arith.mulf %sub3A_842, %div3A_445 : vector<16xf32>
          %mul3A_844 = arith.constant 16 : i32
          %mul3A_845 = arith.muli %add3A_835, %mul3A_844 : i32
          %swap3A_846 = arith.index_cast %scan3A_143 : i32 to index
          %swap3A_847 = arith.index_cast %mul3A_845 : i32 to index
          %swap3A_848 = tpu.vector_load %arg7[%swap3A_846, %swap3A_847] {strides = array<i32>} : memref<8x2048xf32, #tpu.memory_space<vmem>>, vector<1x16xf32>,
          %swap3A_849 = vector.shape_cast %swap3A_848 : vector<1x16xf32> to vector<16xf32>
          %swap3A_850 = vector.shape_cast %mul3A_843 : vector<16xf32> to vector<1x16xf32>
          tpu.vector_store %arg7[%swap3A_846, %swap3A_847], %swap3A_850 {strides = array<i32>} : memref<8x2048xf32, #tpu.memory_space<vmem>>, vector<1x16xf32>,
          %while3A_851 = arith.constant 0 : i32
          scf.yield %while3A_851 : i32
        }
        %while3A_456 = arith.constant 1 : i32
        %while3A_457 = scf.for %while3A_697 = %while3A_453 to %while3A_449 step %while3A_456 iter_args(%while3A_698 = %while3A_455) -> (i32)  : i32 {
          %mul3A_699 = arith.constant 8 : i32
          %mul3A_700 = arith.muli %while3A_697, %mul3A_699 : i32
          %add3A_701 = arith.constant 0 : i32
          %add3A_702 = arith.addi %mul3A_700, %add3A_701 : i32
          %mul3A_703 = arith.constant 16 : i32
          %mul3A_704 = arith.muli %add3A_702, %mul3A_703 : i32
          %get3A_705 = arith.index_cast %scan3A_143 : i32 to index
          %get3A_706 = arith.index_cast %mul3A_704 : i32 to index
          %get3A_707 = tpu.vector_load %arg7[%get3A_705, %get3A_706] {strides = array<i32>} : memref<8x2048xf32, #tpu.memory_space<vmem>>, vector<1x16xf32>,
          %get3A_708 = vector.shape_cast %get3A_707 : vector<1x16xf32> to vector<16xf32>
          %sub3A_709 = arith.subf %get3A_708, %div3A_373 : vector<16xf32>
          %mul3A_710 = arith.mulf %sub3A_709, %div3A_445 : vector<16xf32>
          %mul3A_711 = arith.constant 16 : i32
          %mul3A_712 = arith.muli %add3A_702, %mul3A_711 : i32
          %swap3A_713 = arith.index_cast %scan3A_143 : i32 to index
          %swap3A_714 = arith.index_cast %mul3A_712 : i32 to index
          %swap3A_715 = tpu.vector_load %arg7[%swap3A_713, %swap3A_714] {strides = array<i32>} : memref<8x2048xf32, #tpu.memory_space<vmem>>, vector<1x16xf32>,
          %swap3A_716 = vector.shape_cast %swap3A_715 : vector<1x16xf32> to vector<16xf32>
          %swap3A_717 = vector.shape_cast %mul3A_710 : vector<16xf32> to vector<1x16xf32>
          tpu.vector_store %arg7[%swap3A_713, %swap3A_714], %swap3A_717 {strides = array<i32>} : memref<8x2048xf32, #tpu.memory_space<vmem>>, vector<1x16xf32>,
          %mul3A_718 = arith.constant 8 : i32
          %mul3A_719 = arith.muli %while3A_697, %mul3A_718 : i32
          %add3A_720 = arith.constant 1 : i32
          %add3A_721 = arith.addi %mul3A_719, %add3A_720 : i32
          %mul3A_722 = arith.constant 16 : i32
          %mul3A_723 = arith.muli %add3A_721, %mul3A_722 : i32
          %get3A_724 = arith.index_cast %scan3A_143 : i32 to index
          %get3A_725 = arith.index_cast %mul3A_723 : i32 to index
          %get3A_726 = tpu.vector_load %arg7[%get3A_724, %get3A_725] {strides = array<i32>} : memref<8x2048xf32, #tpu.memory_space<vmem>>, vector<1x16xf32>,
          %get3A_727 = vector.shape_cast %get3A_726 : vector<1x16xf32> to vector<16xf32>
          %sub3A_728 = arith.subf %get3A_727, %div3A_373 : vector<16xf32>
          %mul3A_729 = arith.mulf %sub3A_728, %div3A_445 : vector<16xf32>
          %mul3A_730 = arith.constant 16 : i32
          %mul3A_731 = arith.muli %add3A_721, %mul3A_730 : i32
          %swap3A_732 = arith.index_cast %scan3A_143 : i32 to index
          %swap3A_733 = arith.index_cast %mul3A_731 : i32 to index
          %swap3A_734 = tpu.vector_load %arg7[%swap3A_732, %swap3A_733] {strides = array<i32>} : memref<8x2048xf32, #tpu.memory_space<vmem>>, vector<1x16xf32>,
          %swap3A_735 = vector.shape_cast %swap3A_734 : vector<1x16xf32> to vector<16xf32>
          %swap3A_736 = vector.shape_cast %mul3A_729 : vector<16xf32> to vector<1x16xf32>
          tpu.vector_store %arg7[%swap3A_732, %swap3A_733], %swap3A_736 {strides = array<i32>} : memref<8x2048xf32, #tpu.memory_space<vmem>>, vector<1x16xf32>,
          %mul3A_737 = arith.constant 8 : i32
          %mul3A_738 = arith.muli %while3A_697, %mul3A_737 : i32
          %add3A_739 = arith.constant 2 : i32
          %add3A_740 = arith.addi %mul3A_738, %add3A_739 : i32
          %mul3A_741 = arith.constant 16 : i32
          %mul3A_742 = arith.muli %add3A_740, %mul3A_741 : i32
          %get3A_743 = arith.index_cast %scan3A_143 : i32 to index
          %get3A_744 = arith.index_cast %mul3A_742 : i32 to index
          %get3A_745 = tpu.vector_load %arg7[%get3A_743, %get3A_744] {strides = array<i32>} : memref<8x2048xf32, #tpu.memory_space<vmem>>, vector<1x16xf32>,
          %get3A_746 = vector.shape_cast %get3A_745 : vector<1x16xf32> to vector<16xf32>
          %sub3A_747 = arith.subf %get3A_746, %div3A_373 : vector<16xf32>
          %mul3A_748 = arith.mulf %sub3A_747, %div3A_445 : vector<16xf32>
          %mul3A_749 = arith.constant 16 : i32
          %mul3A_750 = arith.muli %add3A_740, %mul3A_749 : i32
          %swap3A_751 = arith.index_cast %scan3A_143 : i32 to index
          %swap3A_752 = arith.index_cast %mul3A_750 : i32 to index
          %swap3A_753 = tpu.vector_load %arg7[%swap3A_751, %swap3A_752] {strides = array<i32>} : memref<8x2048xf32, #tpu.memory_space<vmem>>, vector<1x16xf32>,
          %swap3A_754 = vector.shape_cast %swap3A_753 : vector<1x16xf32> to vector<16xf32>
          %swap3A_755 = vector.shape_cast %mul3A_748 : vector<16xf32> to vector<1x16xf32>
          tpu.vector_store %arg7[%swap3A_751, %swap3A_752], %swap3A_755 {strides = array<i32>} : memref<8x2048xf32, #tpu.memory_space<vmem>>, vector<1x16xf32>,
          %mul3A_756 = arith.constant 8 : i32
          %mul3A_757 = arith.muli %while3A_697, %mul3A_756 : i32
          %add3A_758 = arith.constant 3 : i32
          %add3A_759 = arith.addi %mul3A_757, %add3A_758 : i32
          %mul3A_760 = arith.constant 16 : i32
          %mul3A_761 = arith.muli %add3A_759, %mul3A_760 : i32
          %get3A_762 = arith.index_cast %scan3A_143 : i32 to index
          %get3A_763 = arith.index_cast %mul3A_761 : i32 to index
          %get3A_764 = tpu.vector_load %arg7[%get3A_762, %get3A_763] {strides = array<i32>} : memref<8x2048xf32, #tpu.memory_space<vmem>>, vector<1x16xf32>,
          %get3A_765 = vector.shape_cast %get3A_764 : vector<1x16xf32> to vector<16xf32>
          %sub3A_766 = arith.subf %get3A_765, %div3A_373 : vector<16xf32>
          %mul3A_767 = arith.mulf %sub3A_766, %div3A_445 : vector<16xf32>
          %mul3A_768 = arith.constant 16 : i32
          %mul3A_769 = arith.muli %add3A_759, %mul3A_768 : i32
          %swap3A_770 = arith.index_cast %scan3A_143 : i32 to index
          %swap3A_771 = arith.index_cast %mul3A_769 : i32 to index
          %swap3A_772 = tpu.vector_load %arg7[%swap3A_770, %swap3A_771] {strides = array<i32>} : memref<8x2048xf32, #tpu.memory_space<vmem>>, vector<1x16xf32>,
          %swap3A_773 = vector.shape_cast %swap3A_772 : vector<1x16xf32> to vector<16xf32>
          %swap3A_774 = vector.shape_cast %mul3A_767 : vector<16xf32> to vector<1x16xf32>
          tpu.vector_store %arg7[%swap3A_770, %swap3A_771], %swap3A_774 {strides = array<i32>} : memref<8x2048xf32, #tpu.memory_space<vmem>>, vector<1x16xf32>,
          %mul3A_775 = arith.constant 8 : i32
          %mul3A_776 = arith.muli %while3A_697, %mul3A_775 : i32
          %add3A_777 = arith.constant 4 : i32
          %add3A_778 = arith.addi %mul3A_776, %add3A_777 : i32
          %mul3A_779 = arith.constant 16 : i32
          %mul3A_780 = arith.muli %add3A_778, %mul3A_779 : i32
          %get3A_781 = arith.index_cast %scan3A_143 : i32 to index
          %get3A_782 = arith.index_cast %mul3A_780 : i32 to index
          %get3A_783 = tpu.vector_load %arg7[%get3A_781, %get3A_782] {strides = array<i32>} : memref<8x2048xf32, #tpu.memory_space<vmem>>, vector<1x16xf32>,
          %get3A_784 = vector.shape_cast %get3A_783 : vector<1x16xf32> to vector<16xf32>
          %sub3A_785 = arith.subf %get3A_784, %div3A_373 : vector<16xf32>
          %mul3A_786 = arith.mulf %sub3A_785, %div3A_445 : vector<16xf32>
          %mul3A_787 = arith.constant 16 : i32
          %mul3A_788 = arith.muli %add3A_778, %mul3A_787 : i32
          %swap3A_789 = arith.index_cast %scan3A_143 : i32 to index
          %swap3A_790 = arith.index_cast %mul3A_788 : i32 to index
          %swap3A_791 = tpu.vector_load %arg7[%swap3A_789, %swap3A_790] {strides = array<i32>} : memref<8x2048xf32, #tpu.memory_space<vmem>>, vector<1x16xf32>,
          %swap3A_792 = vector.shape_cast %swap3A_791 : vector<1x16xf32> to vector<16xf32>
          %swap3A_793 = vector.shape_cast %mul3A_786 : vector<16xf32> to vector<1x16xf32>
          tpu.vector_store %arg7[%swap3A_789, %swap3A_790], %swap3A_793 {strides = array<i32>} : memref<8x2048xf32, #tpu.memory_space<vmem>>, vector<1x16xf32>,
          %mul3A_794 = arith.constant 8 : i32
          %mul3A_795 = arith.muli %while3A_697, %mul3A_794 : i32
          %add3A_796 = arith.constant 5 : i32
          %add3A_797 = arith.addi %mul3A_795, %add3A_796 : i32
          %mul3A_798 = arith.constant 16 : i32
          %mul3A_799 = arith.muli %add3A_797, %mul3A_798 : i32
          %get3A_800 = arith.index_cast %scan3A_143 : i32 to index
          %get3A_801 = arith.index_cast %mul3A_799 : i32 to index
          %get3A_802 = tpu.vector_load %arg7[%get3A_800, %get3A_801] {strides = array<i32>} : memref<8x2048xf32, #tpu.memory_space<vmem>>, vector<1x16xf32>,
          %get3A_803 = vector.shape_cast %get3A_802 : vector<1x16xf32> to vector<16xf32>
          %sub3A_804 = arith.subf %get3A_803, %div3A_373 : vector<16xf32>
          %mul3A_805 = arith.mulf %sub3A_804, %div3A_445 : vector<16xf32>
          %mul3A_806 = arith.constant 16 : i32
          %mul3A_807 = arith.muli %add3A_797, %mul3A_806 : i32
          %swap3A_808 = arith.index_cast %scan3A_143 : i32 to index
          %swap3A_809 = arith.index_cast %mul3A_807 : i32 to index
          %swap3A_810 = tpu.vector_load %arg7[%swap3A_808, %swap3A_809] {strides = array<i32>} : memref<8x2048xf32, #tpu.memory_space<vmem>>, vector<1x16xf32>,
          %swap3A_811 = vector.shape_cast %swap3A_810 : vector<1x16xf32> to vector<16xf32>
          %swap3A_812 = vector.shape_cast %mul3A_805 : vector<16xf32> to vector<1x16xf32>
          tpu.vector_store %arg7[%swap3A_808, %swap3A_809], %swap3A_812 {strides = array<i32>} : memref<8x2048xf32, #tpu.memory_space<vmem>>, vector<1x16xf32>,
          %mul3A_813 = arith.constant 8 : i32
          %mul3A_814 = arith.muli %while3A_697, %mul3A_813 : i32
          %add3A_815 = arith.constant 6 : i32
          %add3A_816 = arith.addi %mul3A_814, %add3A_815 : i32
          %mul3A_817 = arith.constant 16 : i32
          %mul3A_818 = arith.muli %add3A_816, %mul3A_817 : i32
          %get3A_819 = arith.index_cast %scan3A_143 : i32 to index
          %get3A_820 = arith.index_cast %mul3A_818 : i32 to index
          %get3A_821 = tpu.vector_load %arg7[%get3A_819, %get3A_820] {strides = array<i32>} : memref<8x2048xf32, #tpu.memory_space<vmem>>, vector<1x16xf32>,
          %get3A_822 = vector.shape_cast %get3A_821 : vector<1x16xf32> to vector<16xf32>
          %sub3A_823 = arith.subf %get3A_822, %div3A_373 : vector<16xf32>
          %mul3A_824 = arith.mulf %sub3A_823, %div3A_445 : vector<16xf32>
          %mul3A_825 = arith.constant 16 : i32
          %mul3A_826 = arith.muli %add3A_816, %mul3A_825 : i32
          %swap3A_827 = arith.index_cast %scan3A_143 : i32 to index
          %swap3A_828 = arith.index_cast %mul3A_826 : i32 to index
          %swap3A_829 = tpu.vector_load %arg7[%swap3A_827, %swap3A_828] {strides = array<i32>} : memref<8x2048xf32, #tpu.memory_space<vmem>>, vector<1x16xf32>,
          %swap3A_830 = vector.shape_cast %swap3A_829 : vector<1x16xf32> to vector<16xf32>
          %swap3A_831 = vector.shape_cast %mul3A_824 : vector<16xf32> to vector<1x16xf32>
          tpu.vector_store %arg7[%swap3A_827, %swap3A_828], %swap3A_831 {strides = array<i32>} : memref<8x2048xf32, #tpu.memory_space<vmem>>, vector<1x16xf32>,
          %mul3A_832 = arith.constant 8 : i32
          %mul3A_833 = arith.muli %while3A_697, %mul3A_832 : i32
          %add3A_834 = arith.constant 7 : i32
          %add3A_835 = arith.addi %mul3A_833, %add3A_834 : i32
          %mul3A_836 = arith.constant 16 : i32
          %mul3A_837 = arith.muli %add3A_835, %mul3A_836 : i32
          %get3A_838 = arith.index_cast %scan3A_143 : i32 to index
          %get3A_839 = arith.index_cast %mul3A_837 : i32 to index
          %get3A_840 = tpu.vector_load %arg7[%get3A_838, %get3A_839] {strides = array<i32>} : memref<8x2048xf32, #tpu.memory_space<vmem>>, vector<1x16xf32>,
          %get3A_841 = vector.shape_cast %get3A_840 : vector<1x16xf32> to vector<16xf32>
          %sub3A_842 = arith.subf %get3A_841, %div3A_373 : vector<16xf32>
          %mul3A_843 = arith.mulf %sub3A_842, %div3A_445 : vector<16xf32>
          %mul3A_844 = arith.constant 16 : i32
          %mul3A_845 = arith.muli %add3A_835, %mul3A_844 : i32
          %swap3A_846 = arith.index_cast %scan3A_143 : i32 to index
          %swap3A_847 = arith.index_cast %mul3A_845 : i32 to index
          %swap3A_848 = tpu.vector_load %arg7[%swap3A_846, %swap3A_847] {strides = array<i32>} : memref<8x2048xf32, #tpu.memory_space<vmem>>, vector<1x16xf32>,
          %swap3A_849 = vector.shape_cast %swap3A_848 : vector<1x16xf32> to vector<16xf32>
          %swap3A_850 = vector.shape_cast %mul3A_843 : vector<16xf32> to vector<1x16xf32>
          tpu.vector_store %arg7[%swap3A_846, %swap3A_847], %swap3A_850 {strides = array<i32>} : memref<8x2048xf32, #tpu.memory_space<vmem>>, vector<1x16xf32>,
          %while3A_851 = arith.constant 0 : i32
          scf.yield %while3A_851 : i32
        }
        %mul3A_458 = arith.constant 8 : i32
        %mul3A_459 = arith.muli %select_n3A_121, %mul3A_458 : i32
        %add3A_460 = arith.constant 0 : i32
        %add3A_461 = arith.addi %mul3A_459, %add3A_460 : i32
        %mul3A_462 = arith.constant 16 : i32
        %mul3A_463 = arith.muli %add3A_461, %mul3A_462 : i32
        %add3A_464 = vector.broadcast %mul3A_463 : i32 to vector<16xi32>
        %add3A_465 = arith.addi %iota3A, %add3A_464 : vector<16xi32>
        %mul3A_466 = arith.constant 16 : i32
        %mul3A_467 = arith.muli %add3A_461, %mul3A_466 : i32
        %get3A_468 = arith.index_cast %scan3A_143 : i32 to index
        %get3A_469 = arith.index_cast %mul3A_467 : i32 to index
        %get3A_470 = tpu.vector_load %arg7[%get3A_468, %get3A_469] {strides = array<i32>} : memref<8x2048xf32, #tpu.memory_space<vmem>>, vector<1x16xf32>,
        %get3A_471 = vector.shape_cast %get3A_470 : vector<1x16xf32> to vector<16xf32>
        %lt3A_472 = vector.broadcast %select_n3A_97 : i32 to vector<16xi32>
        %lt3A_473 = arith.cmpi slt, %add3A_465, %lt3A_472 : vector<16xi32>
        %sub3A_474 = arith.subf %get3A_471, %div3A_373 : vector<16xf32>
        %mul3A_475 = arith.mulf %sub3A_474, %div3A_445 : vector<16xf32>
        %jit3A_476 = arith.constant 0.000000e+00 : f32
        %broadcast_in_dim3A_477 = vector.broadcast %jit3A_476 : f32 to vector<16xf32>
        %select_n3A_478 = arith.select %lt3A_473, %mul3A_475, %broadcast_in_dim3A_477 : vector<16xi1>, vector<16xf32>
        %mul3A_479 = arith.constant 16 : i32
        %mul3A_480 = arith.muli %add3A_461, %mul3A_479 : i32
        %swap3A_481 = arith.index_cast %scan3A_143 : i32 to index
        %swap3A_482 = arith.index_cast %mul3A_480 : i32 to index
        %swap3A_483 = tpu.vector_load %arg7[%swap3A_481, %swap3A_482] {strides = array<i32>} : memref<8x2048xf32, #tpu.memory_space<vmem>>, vector<1x16xf32>,
        %swap3A_484 = vector.shape_cast %swap3A_483 : vector<1x16xf32> to vector<16xf32>
        %swap3A_485 = vector.shape_cast %select_n3A_478 : vector<16xf32> to vector<1x16xf32>
        tpu.vector_store %arg7[%swap3A_481, %swap3A_482], %swap3A_485 {strides = array<i32>} : memref<8x2048xf32, #tpu.memory_space<vmem>>, vector<1x16xf32>,
        %mul3A_486 = arith.constant 8 : i32
        %mul3A_487 = arith.muli %select_n3A_121, %mul3A_486 : i32
        %add3A_488 = arith.constant 1 : i32
        %add3A_489 = arith.addi %mul3A_487, %add3A_488 : i32
        %mul3A_490 = arith.constant 16 : i32
        %mul3A_491 = arith.muli %add3A_489, %mul3A_490 : i32
        %add3A_492 = vector.broadcast %mul3A_491 : i32 to vector<16xi32>
        %add3A_493 = arith.addi %iota3A, %add3A_492 : vector<16xi32>
        %mul3A_494 = arith.constant 16 : i32
        %mul3A_495 = arith.muli %add3A_489, %mul3A_494 : i32
        %get3A_496 = arith.index_cast %scan3A_143 : i32 to index
        %get3A_497 = arith.index_cast %mul3A_495 : i32 to index
        %get3A_498 = tpu.vector_load %arg7[%get3A_496, %get3A_497] {strides = array<i32>} : memref<8x2048xf32, #tpu.memory_space<vmem>>, vector<1x16xf32>,
        %get3A_499 = vector.shape_cast %get3A_498 : vector<1x16xf32> to vector<16xf32>
        %lt3A_500 = vector.broadcast %select_n3A_97 : i32 to vector<16xi32>
        %lt3A_501 = arith.cmpi slt, %add3A_493, %lt3A_500 : vector<16xi32>
        %sub3A_502 = arith.subf %get3A_499, %div3A_373 : vector<16xf32>
        %mul3A_503 = arith.mulf %sub3A_502, %div3A_445 : vector<16xf32>
        %jit3A_504 = arith.constant 0.000000e+00 : f32
        %broadcast_in_dim3A_505 = vector.broadcast %jit3A_504 : f32 to vector<16xf32>
        %select_n3A_506 = arith.select %lt3A_501, %mul3A_503, %broadcast_in_dim3A_505 : vector<16xi1>, vector<16xf32>
        %mul3A_507 = arith.constant 16 : i32
        %mul3A_508 = arith.muli %add3A_489, %mul3A_507 : i32
        %swap3A_509 = arith.index_cast %scan3A_143 : i32 to index
        %swap3A_510 = arith.index_cast %mul3A_508 : i32 to index
        %swap3A_511 = tpu.vector_load %arg7[%swap3A_509, %swap3A_510] {strides = array<i32>} : memref<8x2048xf32, #tpu.memory_space<vmem>>, vector<1x16xf32>,
        %swap3A_512 = vector.shape_cast %swap3A_511 : vector<1x16xf32> to vector<16xf32>
        %swap3A_513 = vector.shape_cast %select_n3A_506 : vector<16xf32> to vector<1x16xf32>
        tpu.vector_store %arg7[%swap3A_509, %swap3A_510], %swap3A_513 {strides = array<i32>} : memref<8x2048xf32, #tpu.memory_space<vmem>>, vector<1x16xf32>,
        %mul3A_514 = arith.constant 8 : i32
        %mul3A_515 = arith.muli %select_n3A_121, %mul3A_514 : i32
        %add3A_516 = arith.constant 2 : i32
        %add3A_517 = arith.addi %mul3A_515, %add3A_516 : i32
        %mul3A_518 = arith.constant 16 : i32
        %mul3A_519 = arith.muli %add3A_517, %mul3A_518 : i32
        %add3A_520 = vector.broadcast %mul3A_519 : i32 to vector<16xi32>
        %add3A_521 = arith.addi %iota3A, %add3A_520 : vector<16xi32>
        %mul3A_522 = arith.constant 16 : i32
        %mul3A_523 = arith.muli %add3A_517, %mul3A_522 : i32
        %get3A_524 = arith.index_cast %scan3A_143 : i32 to index
        %get3A_525 = arith.index_cast %mul3A_523 : i32 to index
        %get3A_526 = tpu.vector_load %arg7[%get3A_524, %get3A_525] {strides = array<i32>} : memref<8x2048xf32, #tpu.memory_space<vmem>>, vector<1x16xf32>,
        %get3A_527 = vector.shape_cast %get3A_526 : vector<1x16xf32> to vector<16xf32>
        %lt3A_528 = vector.broadcast %select_n3A_97 : i32 to vector<16xi32>
        %lt3A_529 = arith.cmpi slt, %add3A_521, %lt3A_528 : vector<16xi32>
        %sub3A_530 = arith.subf %get3A_527, %div3A_373 : vector<16xf32>
        %mul3A_531 = arith.mulf %sub3A_530, %div3A_445 : vector<16xf32>
        %jit3A_532 = arith.constant 0.000000e+00 : f32
        %broadcast_in_dim3A_533 = vector.broadcast %jit3A_532 : f32 to vector<16xf32>
        %select_n3A_534 = arith.select %lt3A_529, %mul3A_531, %broadcast_in_dim3A_533 : vector<16xi1>, vector<16xf32>
        %mul3A_535 = arith.constant 16 : i32
        %mul3A_536 = arith.muli %add3A_517, %mul3A_535 : i32
        %swap3A_537 = arith.index_cast %scan3A_143 : i32 to index
        %swap3A_538 = arith.index_cast %mul3A_536 : i32 to index
        %swap3A_539 = tpu.vector_load %arg7[%swap3A_537, %swap3A_538] {strides = array<i32>} : memref<8x2048xf32, #tpu.memory_space<vmem>>, vector<1x16xf32>,
        %swap3A_540 = vector.shape_cast %swap3A_539 : vector<1x16xf32> to vector<16xf32>
        %swap3A_541 = vector.shape_cast %select_n3A_534 : vector<16xf32> to vector<1x16xf32>
        tpu.vector_store %arg7[%swap3A_537, %swap3A_538], %swap3A_541 {strides = array<i32>} : memref<8x2048xf32, #tpu.memory_space<vmem>>, vector<1x16xf32>,
        %mul3A_542 = arith.constant 8 : i32
        %mul3A_543 = arith.muli %select_n3A_121, %mul3A_542 : i32
        %add3A_544 = arith.constant 3 : i32
        %add3A_545 = arith.addi %mul3A_543, %add3A_544 : i32
        %mul3A_546 = arith.constant 16 : i32
        %mul3A_547 = arith.muli %add3A_545, %mul3A_546 : i32
        %add3A_548 = vector.broadcast %mul3A_547 : i32 to vector<16xi32>
        %add3A_549 = arith.addi %iota3A, %add3A_548 : vector<16xi32>
        %mul3A_550 = arith.constant 16 : i32
        %mul3A_551 = arith.muli %add3A_545, %mul3A_550 : i32
        %get3A_552 = arith.index_cast %scan3A_143 : i32 to index
        %get3A_553 = arith.index_cast %mul3A_551 : i32 to index
        %get3A_554 = tpu.vector_load %arg7[%get3A_552, %get3A_553] {strides = array<i32>} : memref<8x2048xf32, #tpu.memory_space<vmem>>, vector<1x16xf32>,
        %get3A_555 = vector.shape_cast %get3A_554 : vector<1x16xf32> to vector<16xf32>
        %lt3A_556 = vector.broadcast %select_n3A_97 : i32 to vector<16xi32>
        %lt3A_557 = arith.cmpi slt, %add3A_549, %lt3A_556 : vector<16xi32>
        %sub3A_558 = arith.subf %get3A_555, %div3A_373 : vector<16xf32>
        %mul3A_559 = arith.mulf %sub3A_558, %div3A_445 : vector<16xf32>
        %jit3A_560 = arith.constant 0.000000e+00 : f32
        %broadcast_in_dim3A_561 = vector.broadcast %jit3A_560 : f32 to vector<16xf32>
        %select_n3A_562 = arith.select %lt3A_557, %mul3A_559, %broadcast_in_dim3A_561 : vector<16xi1>, vector<16xf32>
        %mul3A_563 = arith.constant 16 : i32
        %mul3A_564 = arith.muli %add3A_545, %mul3A_563 : i32
        %swap3A_565 = arith.index_cast %scan3A_143 : i32 to index
        %swap3A_566 = arith.index_cast %mul3A_564 : i32 to index
        %swap3A_567 = tpu.vector_load %arg7[%swap3A_565, %swap3A_566] {strides = array<i32>} : memref<8x2048xf32, #tpu.memory_space<vmem>>, vector<1x16xf32>,
        %swap3A_568 = vector.shape_cast %swap3A_567 : vector<1x16xf32> to vector<16xf32>
        %swap3A_569 = vector.shape_cast %select_n3A_562 : vector<16xf32> to vector<1x16xf32>
        tpu.vector_store %arg7[%swap3A_565, %swap3A_566], %swap3A_569 {strides = array<i32>} : memref<8x2048xf32, #tpu.memory_space<vmem>>, vector<1x16xf32>,
        %mul3A_570 = arith.constant 8 : i32
        %mul3A_571 = arith.muli %select_n3A_121, %mul3A_570 : i32
        %add3A_572 = arith.constant 4 : i32
        %add3A_573 = arith.addi %mul3A_571, %add3A_572 : i32
        %mul3A_574 = arith.constant 16 : i32
        %mul3A_575 = arith.muli %add3A_573, %mul3A_574 : i32
        %add3A_576 = vector.broadcast %mul3A_575 : i32 to vector<16xi32>
        %add3A_577 = arith.addi %iota3A, %add3A_576 : vector<16xi32>
        %mul3A_578 = arith.constant 16 : i32
        %mul3A_579 = arith.muli %add3A_573, %mul3A_578 : i32
        %get3A_580 = arith.index_cast %scan3A_143 : i32 to index
        %get3A_581 = arith.index_cast %mul3A_579 : i32 to index
        %get3A_582 = tpu.vector_load %arg7[%get3A_580, %get3A_581] {strides = array<i32>} : memref<8x2048xf32, #tpu.memory_space<vmem>>, vector<1x16xf32>,
        %get3A_583 = vector.shape_cast %get3A_582 : vector<1x16xf32> to vector<16xf32>
        %lt3A_584 = vector.broadcast %select_n3A_97 : i32 to vector<16xi32>
        %lt3A_585 = arith.cmpi slt, %add3A_577, %lt3A_584 : vector<16xi32>
        %sub3A_586 = arith.subf %get3A_583, %div3A_373 : vector<16xf32>
        %mul3A_587 = arith.mulf %sub3A_586, %div3A_445 : vector<16xf32>
        %jit3A_588 = arith.constant 0.000000e+00 : f32
        %broadcast_in_dim3A_589 = vector.broadcast %jit3A_588 : f32 to vector<16xf32>
        %select_n3A_590 = arith.select %lt3A_585, %mul3A_587, %broadcast_in_dim3A_589 : vector<16xi1>, vector<16xf32>
        %mul3A_591 = arith.constant 16 : i32
        %mul3A_592 = arith.muli %add3A_573, %mul3A_591 : i32
        %swap3A_593 = arith.index_cast %scan3A_143 : i32 to index
        %swap3A_594 = arith.index_cast %mul3A_592 : i32 to index
        %swap3A_595 = tpu.vector_load %arg7[%swap3A_593, %swap3A_594] {strides = array<i32>} : memref<8x2048xf32, #tpu.memory_space<vmem>>, vector<1x16xf32>,
        %swap3A_596 = vector.shape_cast %swap3A_595 : vector<1x16xf32> to vector<16xf32>
        %swap3A_597 = vector.shape_cast %select_n3A_590 : vector<16xf32> to vector<1x16xf32>
        tpu.vector_store %arg7[%swap3A_593, %swap3A_594], %swap3A_597 {strides = array<i32>} : memref<8x2048xf32, #tpu.memory_space<vmem>>, vector<1x16xf32>,
        %mul3A_598 = arith.constant 8 : i32
        %mul3A_599 = arith.muli %select_n3A_121, %mul3A_598 : i32
        %add3A_600 = arith.constant 5 : i32
        %add3A_601 = arith.addi %mul3A_599, %add3A_600 : i32
        %mul3A_602 = arith.constant 16 : i32
        %mul3A_603 = arith.muli %add3A_601, %mul3A_602 : i32
        %add3A_604 = vector.broadcast %mul3A_603 : i32 to vector<16xi32>
        %add3A_605 = arith.addi %iota3A, %add3A_604 : vector<16xi32>
        %mul3A_606 = arith.constant 16 : i32
        %mul3A_607 = arith.muli %add3A_601, %mul3A_606 : i32
        %get3A_608 = arith.index_cast %scan3A_143 : i32 to index
        %get3A_609 = arith.index_cast %mul3A_607 : i32 to index
        %get3A_610 = tpu.vector_load %arg7[%get3A_608, %get3A_609] {strides = array<i32>} : memref<8x2048xf32, #tpu.memory_space<vmem>>, vector<1x16xf32>,
        %get3A_611 = vector.shape_cast %get3A_610 : vector<1x16xf32> to vector<16xf32>
        %lt3A_612 = vector.broadcast %select_n3A_97 : i32 to vector<16xi32>
        %lt3A_613 = arith.cmpi slt, %add3A_605, %lt3A_612 : vector<16xi32>
        %sub3A_614 = arith.subf %get3A_611, %div3A_373 : vector<16xf32>
        %mul3A_615 = arith.mulf %sub3A_614, %div3A_445 : vector<16xf32>
        %jit3A_616 = arith.constant 0.000000e+00 : f32
        %broadcast_in_dim3A_617 = vector.broadcast %jit3A_616 : f32 to vector<16xf32>
        %select_n3A_618 = arith.select %lt3A_613, %mul3A_615, %broadcast_in_dim3A_617 : vector<16xi1>, vector<16xf32>
        %mul3A_619 = arith.constant 16 : i32
        %mul3A_620 = arith.muli %add3A_601, %mul3A_619 : i32
        %swap3A_621 = arith.index_cast %scan3A_143 : i32 to index
        %swap3A_622 = arith.index_cast %mul3A_620 : i32 to index
        %swap3A_623 = tpu.vector_load %arg7[%swap3A_621, %swap3A_622] {strides = array<i32>} : memref<8x2048xf32, #tpu.memory_space<vmem>>, vector<1x16xf32>,
        %swap3A_624 = vector.shape_cast %swap3A_623 : vector<1x16xf32> to vector<16xf32>
        %swap3A_625 = vector.shape_cast %select_n3A_618 : vector<16xf32> to vector<1x16xf32>
        tpu.vector_store %arg7[%swap3A_621, %swap3A_622], %swap3A_625 {strides = array<i32>} : memref<8x2048xf32, #tpu.memory_space<vmem>>, vector<1x16xf32>,
        %mul3A_626 = arith.constant 8 : i32
        %mul3A_627 = arith.muli %select_n3A_121, %mul3A_626 : i32
        %add3A_628 = arith.constant 6 : i32
        %add3A_629 = arith.addi %mul3A_627, %add3A_628 : i32
        %mul3A_630 = arith.constant 16 : i32
        %mul3A_631 = arith.muli %add3A_629, %mul3A_630 : i32
        %add3A_632 = vector.broadcast %mul3A_631 : i32 to vector<16xi32>
        %add3A_633 = arith.addi %iota3A, %add3A_632 : vector<16xi32>
        %mul3A_634 = arith.constant 16 : i32
        %mul3A_635 = arith.muli %add3A_629, %mul3A_634 : i32
        %get3A_636 = arith.index_cast %scan3A_143 : i32 to index
        %get3A_637 = arith.index_cast %mul3A_635 : i32 to index
        %get3A_638 = tpu.vector_load %arg7[%get3A_636, %get3A_637] {strides = array<i32>} : memref<8x2048xf32, #tpu.memory_space<vmem>>, vector<1x16xf32>,
        %get3A_639 = vector.shape_cast %get3A_638 : vector<1x16xf32> to vector<16xf32>
        %lt3A_640 = vector.broadcast %select_n3A_97 : i32 to vector<16xi32>
        %lt3A_641 = arith.cmpi slt, %add3A_633, %lt3A_640 : vector<16xi32>
        %sub3A_642 = arith.subf %get3A_639, %div3A_373 : vector<16xf32>
        %mul3A_643 = arith.mulf %sub3A_642, %div3A_445 : vector<16xf32>
        %jit3A_644 = arith.constant 0.000000e+00 : f32
        %broadcast_in_dim3A_645 = vector.broadcast %jit3A_644 : f32 to vector<16xf32>
        %select_n3A_646 = arith.select %lt3A_641, %mul3A_643, %broadcast_in_dim3A_645 : vector<16xi1>, vector<16xf32>
        %mul3A_647 = arith.constant 16 : i32
        %mul3A_648 = arith.muli %add3A_629, %mul3A_647 : i32
        %swap3A_649 = arith.index_cast %scan3A_143 : i32 to index
        %swap3A_650 = arith.index_cast %mul3A_648 : i32 to index
        %swap3A_651 = tpu.vector_load %arg7[%swap3A_649, %swap3A_650] {strides = array<i32>} : memref<8x2048xf32, #tpu.memory_space<vmem>>, vector<1x16xf32>,
        %swap3A_652 = vector.shape_cast %swap3A_651 : vector<1x16xf32> to vector<16xf32>
        %swap3A_653 = vector.shape_cast %select_n3A_646 : vector<16xf32> to vector<1x16xf32>
        tpu.vector_store %arg7[%swap3A_649, %swap3A_650], %swap3A_653 {strides = array<i32>} : memref<8x2048xf32, #tpu.memory_space<vmem>>, vector<1x16xf32>,
        %mul3A_654 = arith.constant 8 : i32
        %mul3A_655 = arith.muli %select_n3A_121, %mul3A_654 : i32
        %add3A_656 = arith.constant 7 : i32
        %add3A_657 = arith.addi %mul3A_655, %add3A_656 : i32
        %mul3A_658 = arith.constant 16 : i32
        %mul3A_659 = arith.muli %add3A_657, %mul3A_658 : i32
        %add3A_660 = vector.broadcast %mul3A_659 : i32 to vector<16xi32>
        %add3A_661 = arith.addi %iota3A, %add3A_660 : vector<16xi32>
        %mul3A_662 = arith.constant 16 : i32
        %mul3A_663 = arith.muli %add3A_657, %mul3A_662 : i32
        %get3A_664 = arith.index_cast %scan3A_143 : i32 to index
        %get3A_665 = arith.index_cast %mul3A_663 : i32 to index
        %get3A_666 = tpu.vector_load %arg7[%get3A_664, %get3A_665] {strides = array<i32>} : memref<8x2048xf32, #tpu.memory_space<vmem>>, vector<1x16xf32>,
        %get3A_667 = vector.shape_cast %get3A_666 : vector<1x16xf32> to vector<16xf32>
        %lt3A_668 = vector.broadcast %select_n3A_97 : i32 to vector<16xi32>
        %lt3A_669 = arith.cmpi slt, %add3A_661, %lt3A_668 : vector<16xi32>
        %sub3A_670 = arith.subf %get3A_667, %div3A_373 : vector<16xf32>
        %mul3A_671 = arith.mulf %sub3A_670, %div3A_445 : vector<16xf32>
        %jit3A_672 = arith.constant 0.000000e+00 : f32
        %broadcast_in_dim3A_673 = vector.broadcast %jit3A_672 : f32 to vector<16xf32>
        %select_n3A_674 = arith.select %lt3A_669, %mul3A_671, %broadcast_in_dim3A_673 : vector<16xi1>, vector<16xf32>
        %mul3A_675 = arith.constant 16 : i32
        %mul3A_676 = arith.muli %add3A_657, %mul3A_675 : i32
        %swap3A_677 = arith.index_cast %scan3A_143 : i32 to index
        %swap3A_678 = arith.index_cast %mul3A_676 : i32 to index
        %swap3A_679 = tpu.vector_load %arg7[%swap3A_677, %swap3A_678] {strides = array<i32>} : memref<8x2048xf32, #tpu.memory_space<vmem>>, vector<1x16xf32>,
        %swap3A_680 = vector.shape_cast %swap3A_679 : vector<1x16xf32> to vector<16xf32>
        %swap3A_681 = vector.shape_cast %select_n3A_674 : vector<16xf32> to vector<1x16xf32>
        tpu.vector_store %arg7[%swap3A_677, %swap3A_678], %swap3A_681 {strides = array<i32>} : memref<8x2048xf32, #tpu.memory_space<vmem>>, vector<1x16xf32>,
        %add3A_682 = arith.constant 1 : i32
        %add3A_683 = arith.addi %select_n3A_121, %add3A_682 : i32
        %while3A_684 = arith.constant 16 : i32
        %while3A_685 = arith.constant 0 : i32
        %while3A_686 = arith.subi %while3A_684, %add3A_683 : i32
        %while3A_687 = arith.addi %add3A_683, %while3A_686 : i32
        %while3A_688 = arith.constant 1 : i32
        %while3A_689 = arith.divsi %while3A_686, %while3A_688 : i32
        %while3A_690 = arith.muli %while3A_689, %while3A_688 : i32
        %while3A_691 = arith.addi %add3A_683, %while3A_690 : i32
        %while3A_692 = arith.constant 1 : i32
        %while3A_693 = scf.for %while3A_697 = %add3A_683 to %while3A_691 step %while3A_692 iter_args(%while3A_698 = %while3A_685) -> (i32)  : i32 {
          %mul3A_699 = arith.constant 8 : i32
          %mul3A_700 = arith.muli %while3A_697, %mul3A_699 : i32
          %add3A_701 = arith.constant 0 : i32
          %add3A_702 = arith.addi %mul3A_700, %add3A_701 : i32
          %mul3A_703 = arith.constant 16 : i32
          %mul3A_704 = arith.muli %add3A_702, %mul3A_703 : i32
          %swap3A_705 = arith.index_cast %scan3A_143 : i32 to index
          %swap3A_706 = arith.index_cast %mul3A_704 : i32 to index
          %swap3A_707 = tpu.vector_load %arg7[%swap3A_705, %swap3A_706] {strides = array<i32>} : memref<8x2048xf32, #tpu.memory_space<vmem>>, vector<1x16xf32>,
          %swap3A_708 = vector.shape_cast %swap3A_707 : vector<1x16xf32> to vector<16xf32>
          %swap3A_709 = vector.shape_cast %broadcast_in_dim3A_17 : vector<16xf32> to vector<1x16xf32>
          tpu.vector_store %arg7[%swap3A_705, %swap3A_706], %swap3A_709 {strides = array<i32>} : memref<8x2048xf32, #tpu.memory_space<vmem>>, vector<1x16xf32>,
          %mul3A_710 = arith.constant 8 : i32
          %mul3A_711 = arith.muli %while3A_697, %mul3A_710 : i32
          %add3A_712 = arith.constant 1 : i32
          %add3A_713 = arith.addi %mul3A_711, %add3A_712 : i32
          %mul3A_714 = arith.constant 16 : i32
          %mul3A_715 = arith.muli %add3A_713, %mul3A_714 : i32
          %swap3A_716 = arith.index_cast %scan3A_143 : i32 to index
          %swap3A_717 = arith.index_cast %mul3A_715 : i32 to index
          %swap3A_718 = tpu.vector_load %arg7[%swap3A_716, %swap3A_717] {strides = array<i32>} : memref<8x2048xf32, #tpu.memory_space<vmem>>, vector<1x16xf32>,
          %swap3A_719 = vector.shape_cast %swap3A_718 : vector<1x16xf32> to vector<16xf32>
          %swap3A_720 = vector.shape_cast %broadcast_in_dim3A_17 : vector<16xf32> to vector<1x16xf32>
          tpu.vector_store %arg7[%swap3A_716, %swap3A_717], %swap3A_720 {strides = array<i32>} : memref<8x2048xf32, #tpu.memory_space<vmem>>, vector<1x16xf32>,
          %mul3A_721 = arith.constant 8 : i32
          %mul3A_722 = arith.muli %while3A_697, %mul3A_721 : i32
          %add3A_723 = arith.constant 2 : i32
          %add3A_724 = arith.addi %mul3A_722, %add3A_723 : i32
          %mul3A_725 = arith.constant 16 : i32
          %mul3A_726 = arith.muli %add3A_724, %mul3A_725 : i32
          %swap3A_727 = arith.index_cast %scan3A_143 : i32 to index
          %swap3A_728 = arith.index_cast %mul3A_726 : i32 to index
          %swap3A_729 = tpu.vector_load %arg7[%swap3A_727, %swap3A_728] {strides = array<i32>} : memref<8x2048xf32, #tpu.memory_space<vmem>>, vector<1x16xf32>,
          %swap3A_730 = vector.shape_cast %swap3A_729 : vector<1x16xf32> to vector<16xf32>
          %swap3A_731 = vector.shape_cast %broadcast_in_dim3A_17 : vector<16xf32> to vector<1x16xf32>
          tpu.vector_store %arg7[%swap3A_727, %swap3A_728], %swap3A_731 {strides = array<i32>} : memref<8x2048xf32, #tpu.memory_space<vmem>>, vector<1x16xf32>,
          %mul3A_732 = arith.constant 8 : i32
          %mul3A_733 = arith.muli %while3A_697, %mul3A_732 : i32
          %add3A_734 = arith.constant 3 : i32
          %add3A_735 = arith.addi %mul3A_733, %add3A_734 : i32
          %mul3A_736 = arith.constant 16 : i32
          %mul3A_737 = arith.muli %add3A_735, %mul3A_736 : i32
          %swap3A_738 = arith.index_cast %scan3A_143 : i32 to index
          %swap3A_739 = arith.index_cast %mul3A_737 : i32 to index
          %swap3A_740 = tpu.vector_load %arg7[%swap3A_738, %swap3A_739] {strides = array<i32>} : memref<8x2048xf32, #tpu.memory_space<vmem>>, vector<1x16xf32>,
          %swap3A_741 = vector.shape_cast %swap3A_740 : vector<1x16xf32> to vector<16xf32>
          %swap3A_742 = vector.shape_cast %broadcast_in_dim3A_17 : vector<16xf32> to vector<1x16xf32>
          tpu.vector_store %arg7[%swap3A_738, %swap3A_739], %swap3A_742 {strides = array<i32>} : memref<8x2048xf32, #tpu.memory_space<vmem>>, vector<1x16xf32>,
          %mul3A_743 = arith.constant 8 : i32
          %mul3A_744 = arith.muli %while3A_697, %mul3A_743 : i32
          %add3A_745 = arith.constant 4 : i32
          %add3A_746 = arith.addi %mul3A_744, %add3A_745 : i32
          %mul3A_747 = arith.constant 16 : i32
          %mul3A_748 = arith.muli %add3A_746, %mul3A_747 : i32
          %swap3A_749 = arith.index_cast %scan3A_143 : i32 to index
          %swap3A_750 = arith.index_cast %mul3A_748 : i32 to index
          %swap3A_751 = tpu.vector_load %arg7[%swap3A_749, %swap3A_750] {strides = array<i32>} : memref<8x2048xf32, #tpu.memory_space<vmem>>, vector<1x16xf32>,
          %swap3A_752 = vector.shape_cast %swap3A_751 : vector<1x16xf32> to vector<16xf32>
          %swap3A_753 = vector.shape_cast %broadcast_in_dim3A_17 : vector<16xf32> to vector<1x16xf32>
          tpu.vector_store %arg7[%swap3A_749, %swap3A_750], %swap3A_753 {strides = array<i32>} : memref<8x2048xf32, #tpu.memory_space<vmem>>, vector<1x16xf32>,
          %mul3A_754 = arith.constant 8 : i32
          %mul3A_755 = arith.muli %while3A_697, %mul3A_754 : i32
          %add3A_756 = arith.constant 5 : i32
          %add3A_757 = arith.addi %mul3A_755, %add3A_756 : i32
          %mul3A_758 = arith.constant 16 : i32
          %mul3A_759 = arith.muli %add3A_757, %mul3A_758 : i32
          %swap3A_760 = arith.index_cast %scan3A_143 : i32 to index
          %swap3A_761 = arith.index_cast %mul3A_759 : i32 to index
          %swap3A_762 = tpu.vector_load %arg7[%swap3A_760, %swap3A_761] {strides = array<i32>} : memref<8x2048xf32, #tpu.memory_space<vmem>>, vector<1x16xf32>,
          %swap3A_763 = vector.shape_cast %swap3A_762 : vector<1x16xf32> to vector<16xf32>
          %swap3A_764 = vector.shape_cast %broadcast_in_dim3A_17 : vector<16xf32> to vector<1x16xf32>
          tpu.vector_store %arg7[%swap3A_760, %swap3A_761], %swap3A_764 {strides = array<i32>} : memref<8x2048xf32, #tpu.memory_space<vmem>>, vector<1x16xf32>,
          %mul3A_765 = arith.constant 8 : i32
          %mul3A_766 = arith.muli %while3A_697, %mul3A_765 : i32
          %add3A_767 = arith.constant 6 : i32
          %add3A_768 = arith.addi %mul3A_766, %add3A_767 : i32
          %mul3A_769 = arith.constant 16 : i32
          %mul3A_770 = arith.muli %add3A_768, %mul3A_769 : i32
          %swap3A_771 = arith.index_cast %scan3A_143 : i32 to index
          %swap3A_772 = arith.index_cast %mul3A_770 : i32 to index
          %swap3A_773 = tpu.vector_load %arg7[%swap3A_771, %swap3A_772] {strides = array<i32>} : memref<8x2048xf32, #tpu.memory_space<vmem>>, vector<1x16xf32>,
          %swap3A_774 = vector.shape_cast %swap3A_773 : vector<1x16xf32> to vector<16xf32>
          %swap3A_775 = vector.shape_cast %broadcast_in_dim3A_17 : vector<16xf32> to vector<1x16xf32>
          tpu.vector_store %arg7[%swap3A_771, %swap3A_772], %swap3A_775 {strides = array<i32>} : memref<8x2048xf32, #tpu.memory_space<vmem>>, vector<1x16xf32>,
          %mul3A_776 = arith.constant 8 : i32
          %mul3A_777 = arith.muli %while3A_697, %mul3A_776 : i32
          %add3A_778 = arith.constant 7 : i32
          %add3A_779 = arith.addi %mul3A_777, %add3A_778 : i32
          %mul3A_780 = arith.constant 16 : i32
          %mul3A_781 = arith.muli %add3A_779, %mul3A_780 : i32
          %swap3A_782 = arith.index_cast %scan3A_143 : i32 to index
          %swap3A_783 = arith.index_cast %mul3A_781 : i32 to index
          %swap3A_784 = tpu.vector_load %arg7[%swap3A_782, %swap3A_783] {strides = array<i32>} : memref<8x2048xf32, #tpu.memory_space<vmem>>, vector<1x16xf32>,
          %swap3A_785 = vector.shape_cast %swap3A_784 : vector<1x16xf32> to vector<16xf32>
          %swap3A_786 = vector.shape_cast %broadcast_in_dim3A_17 : vector<16xf32> to vector<1x16xf32>
          tpu.vector_store %arg7[%swap3A_782, %swap3A_783], %swap3A_786 {strides = array<i32>} : memref<8x2048xf32, #tpu.memory_space<vmem>>, vector<1x16xf32>,
          %while3A_787 = arith.constant 0 : i32
          scf.yield %while3A_787 : i32
        }
        %while3A_694 = arith.constant 1 : i32
        %while3A_695 = scf.for %while3A_697 = %while3A_691 to %while3A_687 step %while3A_694 iter_args(%while3A_698 = %while3A_693) -> (i32)  : i32 {
          %mul3A_699 = arith.constant 8 : i32
          %mul3A_700 = arith.muli %while3A_697, %mul3A_699 : i32
          %add3A_701 = arith.constant 0 : i32
          %add3A_702 = arith.addi %mul3A_700, %add3A_701 : i32
          %mul3A_703 = arith.constant 16 : i32
          %mul3A_704 = arith.muli %add3A_702, %mul3A_703 : i32
          %swap3A_705 = arith.index_cast %scan3A_143 : i32 to index
          %swap3A_706 = arith.index_cast %mul3A_704 : i32 to index
          %swap3A_707 = tpu.vector_load %arg7[%swap3A_705, %swap3A_706] {strides = array<i32>} : memref<8x2048xf32, #tpu.memory_space<vmem>>, vector<1x16xf32>,
          %swap3A_708 = vector.shape_cast %swap3A_707 : vector<1x16xf32> to vector<16xf32>
          %swap3A_709 = vector.shape_cast %broadcast_in_dim3A_17 : vector<16xf32> to vector<1x16xf32>
          tpu.vector_store %arg7[%swap3A_705, %swap3A_706], %swap3A_709 {strides = array<i32>} : memref<8x2048xf32, #tpu.memory_space<vmem>>, vector<1x16xf32>,
          %mul3A_710 = arith.constant 8 : i32
          %mul3A_711 = arith.muli %while3A_697, %mul3A_710 : i32
          %add3A_712 = arith.constant 1 : i32
          %add3A_713 = arith.addi %mul3A_711, %add3A_712 : i32
          %mul3A_714 = arith.constant 16 : i32
          %mul3A_715 = arith.muli %add3A_713, %mul3A_714 : i32
          %swap3A_716 = arith.index_cast %scan3A_143 : i32 to index
          %swap3A_717 = arith.index_cast %mul3A_715 : i32 to index
          %swap3A_718 = tpu.vector_load %arg7[%swap3A_716, %swap3A_717] {strides = array<i32>} : memref<8x2048xf32, #tpu.memory_space<vmem>>, vector<1x16xf32>,
          %swap3A_719 = vector.shape_cast %swap3A_718 : vector<1x16xf32> to vector<16xf32>
          %swap3A_720 = vector.shape_cast %broadcast_in_dim3A_17 : vector<16xf32> to vector<1x16xf32>
          tpu.vector_store %arg7[%swap3A_716, %swap3A_717], %swap3A_720 {strides = array<i32>} : memref<8x2048xf32, #tpu.memory_space<vmem>>, vector<1x16xf32>,
          %mul3A_721 = arith.constant 8 : i32
          %mul3A_722 = arith.muli %while3A_697, %mul3A_721 : i32
          %add3A_723 = arith.constant 2 : i32
          %add3A_724 = arith.addi %mul3A_722, %add3A_723 : i32
          %mul3A_725 = arith.constant 16 : i32
          %mul3A_726 = arith.muli %add3A_724, %mul3A_725 : i32
          %swap3A_727 = arith.index_cast %scan3A_143 : i32 to index
          %swap3A_728 = arith.index_cast %mul3A_726 : i32 to index
          %swap3A_729 = tpu.vector_load %arg7[%swap3A_727, %swap3A_728] {strides = array<i32>} : memref<8x2048xf32, #tpu.memory_space<vmem>>, vector<1x16xf32>,
          %swap3A_730 = vector.shape_cast %swap3A_729 : vector<1x16xf32> to vector<16xf32>
          %swap3A_731 = vector.shape_cast %broadcast_in_dim3A_17 : vector<16xf32> to vector<1x16xf32>
          tpu.vector_store %arg7[%swap3A_727, %swap3A_728], %swap3A_731 {strides = array<i32>} : memref<8x2048xf32, #tpu.memory_space<vmem>>, vector<1x16xf32>,
          %mul3A_732 = arith.constant 8 : i32
          %mul3A_733 = arith.muli %while3A_697, %mul3A_732 : i32
          %add3A_734 = arith.constant 3 : i32
          %add3A_735 = arith.addi %mul3A_733, %add3A_734 : i32
          %mul3A_736 = arith.constant 16 : i32
          %mul3A_737 = arith.muli %add3A_735, %mul3A_736 : i32
          %swap3A_738 = arith.index_cast %scan3A_143 : i32 to index
          %swap3A_739 = arith.index_cast %mul3A_737 : i32 to index
          %swap3A_740 = tpu.vector_load %arg7[%swap3A_738, %swap3A_739] {strides = array<i32>} : memref<8x2048xf32, #tpu.memory_space<vmem>>, vector<1x16xf32>,
          %swap3A_741 = vector.shape_cast %swap3A_740 : vector<1x16xf32> to vector<16xf32>
          %swap3A_742 = vector.shape_cast %broadcast_in_dim3A_17 : vector<16xf32> to vector<1x16xf32>
          tpu.vector_store %arg7[%swap3A_738, %swap3A_739], %swap3A_742 {strides = array<i32>} : memref<8x2048xf32, #tpu.memory_space<vmem>>, vector<1x16xf32>,
          %mul3A_743 = arith.constant 8 : i32
          %mul3A_744 = arith.muli %while3A_697, %mul3A_743 : i32
          %add3A_745 = arith.constant 4 : i32
          %add3A_746 = arith.addi %mul3A_744, %add3A_745 : i32
          %mul3A_747 = arith.constant 16 : i32
          %mul3A_748 = arith.muli %add3A_746, %mul3A_747 : i32
          %swap3A_749 = arith.index_cast %scan3A_143 : i32 to index
          %swap3A_750 = arith.index_cast %mul3A_748 : i32 to index
          %swap3A_751 = tpu.vector_load %arg7[%swap3A_749, %swap3A_750] {strides = array<i32>} : memref<8x2048xf32, #tpu.memory_space<vmem>>, vector<1x16xf32>,
          %swap3A_752 = vector.shape_cast %swap3A_751 : vector<1x16xf32> to vector<16xf32>
          %swap3A_753 = vector.shape_cast %broadcast_in_dim3A_17 : vector<16xf32> to vector<1x16xf32>
          tpu.vector_store %arg7[%swap3A_749, %swap3A_750], %swap3A_753 {strides = array<i32>} : memref<8x2048xf32, #tpu.memory_space<vmem>>, vector<1x16xf32>,
          %mul3A_754 = arith.constant 8 : i32
          %mul3A_755 = arith.muli %while3A_697, %mul3A_754 : i32
          %add3A_756 = arith.constant 5 : i32
          %add3A_757 = arith.addi %mul3A_755, %add3A_756 : i32
          %mul3A_758 = arith.constant 16 : i32
          %mul3A_759 = arith.muli %add3A_757, %mul3A_758 : i32
          %swap3A_760 = arith.index_cast %scan3A_143 : i32 to index
          %swap3A_761 = arith.index_cast %mul3A_759 : i32 to index
          %swap3A_762 = tpu.vector_load %arg7[%swap3A_760, %swap3A_761] {strides = array<i32>} : memref<8x2048xf32, #tpu.memory_space<vmem>>, vector<1x16xf32>,
          %swap3A_763 = vector.shape_cast %swap3A_762 : vector<1x16xf32> to vector<16xf32>
          %swap3A_764 = vector.shape_cast %broadcast_in_dim3A_17 : vector<16xf32> to vector<1x16xf32>
          tpu.vector_store %arg7[%swap3A_760, %swap3A_761], %swap3A_764 {strides = array<i32>} : memref<8x2048xf32, #tpu.memory_space<vmem>>, vector<1x16xf32>,
          %mul3A_765 = arith.constant 8 : i32
          %mul3A_766 = arith.muli %while3A_697, %mul3A_765 : i32
          %add3A_767 = arith.constant 6 : i32
          %add3A_768 = arith.addi %mul3A_766, %add3A_767 : i32
          %mul3A_769 = arith.constant 16 : i32
          %mul3A_770 = arith.muli %add3A_768, %mul3A_769 : i32
          %swap3A_771 = arith.index_cast %scan3A_143 : i32 to index
          %swap3A_772 = arith.index_cast %mul3A_770 : i32 to index
          %swap3A_773 = tpu.vector_load %arg7[%swap3A_771, %swap3A_772] {strides = array<i32>} : memref<8x2048xf32, #tpu.memory_space<vmem>>, vector<1x16xf32>,
          %swap3A_774 = vector.shape_cast %swap3A_773 : vector<1x16xf32> to vector<16xf32>
          %swap3A_775 = vector.shape_cast %broadcast_in_dim3A_17 : vector<16xf32> to vector<1x16xf32>
          tpu.vector_store %arg7[%swap3A_771, %swap3A_772], %swap3A_775 {strides = array<i32>} : memref<8x2048xf32, #tpu.memory_space<vmem>>, vector<1x16xf32>,
          %mul3A_776 = arith.constant 8 : i32
          %mul3A_777 = arith.muli %while3A_697, %mul3A_776 : i32
          %add3A_778 = arith.constant 7 : i32
          %add3A_779 = arith.addi %mul3A_777, %add3A_778 : i32
          %mul3A_780 = arith.constant 16 : i32
          %mul3A_781 = arith.muli %add3A_779, %mul3A_780 : i32
          %swap3A_782 = arith.index_cast %scan3A_143 : i32 to index
          %swap3A_783 = arith.index_cast %mul3A_781 : i32 to index
          %swap3A_784 = tpu.vector_load %arg7[%swap3A_782, %swap3A_783] {strides = array<i32>} : memref<8x2048xf32, #tpu.memory_space<vmem>>, vector<1x16xf32>,
          %swap3A_785 = vector.shape_cast %swap3A_784 : vector<1x16xf32> to vector<16xf32>
          %swap3A_786 = vector.shape_cast %broadcast_in_dim3A_17 : vector<16xf32> to vector<1x16xf32>
          tpu.vector_store %arg7[%swap3A_782, %swap3A_783], %swap3A_786 {strides = array<i32>} : memref<8x2048xf32, #tpu.memory_space<vmem>>, vector<1x16xf32>,
          %while3A_787 = arith.constant 0 : i32
          scf.yield %while3A_787 : i32
        }
        %scan3A_696 = arith.constant 0 : i32
        scf.yield %scan3A_696 : i32
      }
      %scan3A_141 = arith.constant 8 : i32
      "tpu.region"() ({
        %run_scoped3A = tpu.sem_alloc : memref<!tpu.dma_semaphore, #tpu.memory_space<semaphore_mem>>
        %dma_start3A = arith.constant 0 : i32
        %dma_start3A_143 = tpu.memref_slice %arg4[%add3A_134, %dma_start3A] : memref<8192x2048xf32, #tpu.memory_space<hbm>> -> memref<8x2048xf32, #tpu.memory_space<hbm>>
        %dma_start3A_144 = arith.constant 0 : i32
        %dma_start3A_145 = tpu.memref_slice %arg4[%add3A_134, %dma_start3A_144] : memref<8192x2048xf32, #tpu.memory_space<hbm>> -> memref<8x2048xf32, #tpu.memory_space<hbm>>
        tpu.enqueue_dma source(%arg7 : memref<8x2048xf32, #tpu.memory_space<vmem>>) target(%dma_start3A_145 : memref<8x2048xf32, #tpu.memory_space<hbm>>) target_semaphore(%run_scoped3A : memref<!tpu.dma_semaphore, #tpu.memory_space<semaphore_mem>>)
        %dma_wait3A = arith.constant 0 : i32
        %dma_wait3A_146 = tpu.memref_slice %arg4[%add3A_134, %dma_wait3A] : memref<8192x2048xf32, #tpu.memory_space<hbm>> -> memref<8x2048xf32, #tpu.memory_space<hbm>>
        %dma_wait3A_147 = arith.constant 0 : i32
        %dma_wait3A_148 = tpu.memref_slice %arg4[%add3A_134, %dma_wait3A_147] : memref<8192x2048xf32, #tpu.memory_space<hbm>> -> memref<8x2048xf32, #tpu.memory_space<hbm>>
        tpu.wait_dma2 semaphore(%run_scoped3A : memref<!tpu.dma_semaphore, #tpu.memory_space<semaphore_mem>>) src(%arg7 : memref<8x2048xf32, #tpu.memory_space<vmem>>) dst(%dma_wait3A_148 : memref<8x2048xf32, #tpu.memory_space<hbm>>)
        tpu.yield
      }) : () -> ()
      %scan3A_142 = arith.constant 0 : i32
      scf.yield %scan3A_142 : i32
    }
    %scan3A_129 = arith.constant 2 : i32
    return
  }
}

module attributes {stable_mosaic.version = 14 : i64} {
  func.func @_tc_body(%arg0: i32, %arg1: memref<16xi32, #tpu.memory_space<smem>>, %arg2: memref<1x512x2048xf32, #tpu.memory_space<vmem>>, %arg3: memref<16x512x2048xf32, #tpu.memory_space<any>>, %arg4: memref<1x512x2048xf32, #tpu.memory_space<vmem>>) attributes {dimension_semantics = [#tpu.dimension_semantics<arbitrary>], iteration_bounds = array<i64: 15>, scalar_prefetch = 0 : i64, scratch_operands = 0 : i64, tpu.core_type = #tpu.core_type<tc>, window_params = [{transform_indices = @transform_0, window_bounds = array<i64: 16>}, {transform_indices = @transform_1, window_bounds = array<i64: 1, 512, 2048>}, {}, {transform_indices = @transform_3, window_bounds = array<i64: 1, 512, 2048>}]} {
    %add3A = arith.constant 1 : i32
    %add3A_0 = arith.addi %arg0, %add3A : i32
    %get3A = arith.index_cast %add3A_0 : i32 to index
    %get3A_1 = memref.load %arg1[%get3A] : memref<16xi32, #tpu.memory_space<smem>>
    %convert_element_type3A = arith.sitofp %get3A_1 : i32 to f32
    %get3A_2 = arith.constant 0 : index
    %get3A_3 = arith.constant 0 : index
    %get3A_4 = arith.constant 0 : index
    %get3A_5 = vector.load %arg2[%get3A_2, %get3A_3, %get3A_4] : memref<1x512x2048xf32, #tpu.memory_space<vmem>>, vector<1x512x2048xf32>
    %iota3A = tpu.iota {dimensions = array<i32: 2>} : vector<1x1x2048xi32>
    %add3A_6 = arith.constant 1 : i32
    %add3A_7 = arith.addi %arg0, %add3A_6 : i32
    %get3A_8 = arith.index_cast %add3A_7 : i32 to index
    %get3A_9 = memref.load %arg1[%get3A_8] : memref<16xi32, #tpu.memory_space<smem>>
    %lt3A = vector.broadcast %get3A_9 : i32 to vector<1x1x2048xi32>
    %lt3A_10 = arith.cmpi slt, %iota3A, %lt3A : vector<1x1x2048xi32>
    %convert_element_type3A_11 = arith.extui %lt3A_10 : vector<1x1x2048xi1> to vector<1x1x2048xi32>
    %convert_element_type3A_12 = arith.sitofp %convert_element_type3A_11 : vector<1x1x2048xi32> to vector<1x1x2048xf32>
    %mul3A = vector.broadcast %convert_element_type3A_12 : vector<1x1x2048xf32> to vector<1x512x2048xf32>
    %mul3A_13 = arith.mulf %get3A_5, %mul3A : vector<1x512x2048xf32>
    %reduce_sum3A = arith.constant dense<0.000000e+00> : vector<1x512xf32>
    %reduce_sum3A_14 = vector.multi_reduction <add>, %mul3A_13, %reduce_sum3A [2] : vector<1x512x2048xf32> to vector<1x512xf32>
    %broadcast_in_dim3A = vector.shape_cast %reduce_sum3A_14 : vector<1x512xf32> to vector<1x512x1xf32>
    %mul3A_15 = arith.mulf %mul3A_13, %mul3A_13 : vector<1x512x2048xf32>
    %reduce_sum3A_16 = arith.constant dense<0.000000e+00> : vector<1x512xf32>
    %reduce_sum3A_17 = vector.multi_reduction <add>, %mul3A_15, %reduce_sum3A_16 [2] : vector<1x512x2048xf32> to vector<1x512xf32>
    %broadcast_in_dim3A_18 = vector.shape_cast %reduce_sum3A_17 : vector<1x512xf32> to vector<1x512x1xf32>
    %div3A = vector.broadcast %convert_element_type3A : f32 to vector<1x512x1xf32>
    %div3A_19 = arith.divf %broadcast_in_dim3A, %div3A : vector<1x512x1xf32>
    %mul3A_20 = vector.broadcast %convert_element_type3A : f32 to vector<1x512x1xf32>
    %mul3A_21 = arith.mulf %mul3A_20, %div3A_19 : vector<1x512x1xf32>
    %mul3A_22 = arith.mulf %mul3A_21, %div3A_19 : vector<1x512x1xf32>
    %sub3A = arith.subf %broadcast_in_dim3A_18, %mul3A_22 : vector<1x512x1xf32>
    %sub3A_23 = arith.constant 1.000000e+00 : f32
    %sub3A_24 = arith.subf %convert_element_type3A, %sub3A_23 : f32
    %div3A_25 = vector.broadcast %sub3A_24 : f32 to vector<1x512x1xf32>
    %div3A_26 = arith.divf %sub3A, %div3A_25 : vector<1x512x1xf32>
    %max3A = arith.constant 0.000000e+00 : f32
    %max3A_27 = vector.broadcast %max3A : f32 to vector<1x512x1xf32>
    %max3A_28 = arith.maximumf %div3A_26, %max3A_27 : vector<1x512x1xf32>
    %sqrt3A = math.sqrt %max3A_28 : vector<1x512x1xf32>
    %add3A_29 = arith.constant 9.99999974E-6 : f32
    %add3A_30 = vector.broadcast %add3A_29 : f32 to vector<1x512x1xf32>
    %add3A_31 = arith.addf %sqrt3A, %add3A_30 : vector<1x512x1xf32>
    %mul3A_32 = vector.broadcast %div3A_19 : vector<1x512x1xf32> to vector<1x512x2048xf32>
    %mul3A_33 = vector.broadcast %convert_element_type3A_12 : vector<1x1x2048xf32> to vector<1x512x2048xf32>
    %mul3A_34 = arith.mulf %mul3A_32, %mul3A_33 : vector<1x512x2048xf32>
    %sub3A_35 = arith.subf %mul3A_13, %mul3A_34 : vector<1x512x2048xf32>
    %div3A_36 = vector.broadcast %add3A_31 : vector<1x512x1xf32> to vector<1x512x2048xf32>
    %div3A_37 = arith.divf %sub3A_35, %div3A_36 : vector<1x512x2048xf32>
    %swap3A = arith.constant 0 : index
    %swap3A_38 = arith.constant 0 : index
    %swap3A_39 = arith.constant 0 : index
    %swap3A_40 = vector.load %arg4[%swap3A, %swap3A_38, %swap3A_39] : memref<1x512x2048xf32, #tpu.memory_space<vmem>>, vector<1x512x2048xf32>
    tpu.vector_store %arg4[%swap3A, %swap3A_38, %swap3A_39], %div3A_37 {strides = array<i32>} : memref<1x512x2048xf32, #tpu.memory_space<vmem>>, vector<1x512x2048xf32>,
    return
  }
  func.func @transform_0(%arg0: i32) -> i32 {
    %c0_i32 = arith.constant 0 : i32
    %c0_i32_0 = arith.constant 0 : i32
    return %c0_i32 : i32
  }
  func.func @transform_1(%arg0: i32) -> (i32, i32, i32) {
    %add3A = arith.constant 1 : i32
    %add3A_0 = arith.addi %arg0, %add3A : i32
    %c0_i32 = arith.constant 0 : i32
    %c0_i32_1 = arith.constant 0 : i32
    %c0_i32_2 = arith.constant 0 : i32
    return %add3A_0, %c0_i32, %c0_i32_1 : i32, i32, i32
  }
  func.func @transform_3(%arg0: i32) -> (i32, i32, i32) {
    %add3A = arith.constant 1 : i32
    %add3A_0 = arith.addi %arg0, %add3A : i32
    %c0_i32 = arith.constant 0 : i32
    %c0_i32_1 = arith.constant 0 : i32
    %c0_i32_2 = arith.constant 0 : i32
    return %add3A_0, %c0_i32, %c0_i32_1 : i32, i32, i32
  }
}

</mosaic_0001>

<sc_bundles>
// kernel: kernel.4.cloned.1.call-start
scs
__scs_entry_jumppad:
0x0: {  	(pc) =	sbr.rel $0x88, $3  }
0x1: {  	(tag) =	ssettag $0x0;
	lr =	simm.s32 $0x1  }
0x2: {  	[smem:$0x3F9F] =	sst lr;
	_ =	strace $0xD0000000  }
0x3: {  	_ = 	snop  }
0x4: {  	_ = 	snop  }
0x5: {  	_ = 	snop  }
0x6: {  	_ = 	snop  }
0x7: {  	_ = 	snop  }
__scs_overlays_trampoline_lowered:
0x8: {  	[smem:$0x3FAE] =	sst s0  }
0x9: {  	[smem:$0x3FAF] =	sst s1  }
0xa: {  	[smem:$0x3FB0] =	sst s2  }
0xb: {  	[smem:$0x3FB1] =	sst s3  }
0xc: {  	[smem:$0x3FB2] =	sst s4  }
0xd: {  	[smem:$0x3FB3] =	sst s5  }
0xe: {  	[smem:$0x3FB4] =	sst s6  }
0xf: {  	[smem:$0x3FB5] =	sst s7  }
0x10: {  	[smem:$0x3FB6] =	sst s8  }
0x11: {  	[smem:$0x3FB7] =	sst s9;
	s0 =	simm.s32 @!p0 $0x0  }
0x12: {  	s1 =	sld [smem:$0x3F9D];
	s0 =	simm.s32 @p0 $0x1  }
0x13: {  	[smem:$0x3FB8] =	sst s0;
	s0 =	simm.s32 @!p1 $0x0  }
0x14: {  	s2 =	sld [smem:$0x3F9C];
	s0 =	simm.s32 @p1 $0x1  }
0x15: {  	[smem:$0x3FB9] =	sst s0;
	s0 =	simm.s32 @!p2 $0x0  }
0x16: {  	s3 =	sld [smem:$0x3FDB];
	s0 =	simm.s32 @p2 $0x1  }
0x17: {  	s4 =	simm.s32 $0x1BF5;
	[smem:$0x3FBB] =	sst s0  }
0x18: {  	s0 =	sld [smem:$0x3F9E];
	_ =	swait.ge [sflag:s4], $0x0  }
0x19: {  	s7 =	sld [smem:$0x3F9F]  }
0x1a: {  	s8 =	sadd.s32 $0xFFFFE003, lr  }
0x1b: {  	s9 =	sadd.s32 $0xFFFFFEF7, lr;
	s5 =	simm.s32 $0xFFFFFFFF;
	p2 =	slt.u32 s8, $0xFFFFF086  }
0x1c: {  	p1 =	slt.u32 s9, $0xF7A;
	s5 =	simm.s32 @!p2 $0x0  }
0x1d: {  	s5 =	simm.s32 @p1 $0x1;
	p0 =	seq.s32 s7, s2  }
0x1e: {  	s7 =	smul.u32 @!p0 $0xF7A, s2;
	p2 =	seq.s32 @!p0 s5, $0x0  }
0x1f: {  	s9 =	smul.u32 $0xF7A, s1;
	s8 =	simm.s32 @!p0 $0x1BF5;
	p2 =	por !p2, p0  }
0x20: {  	[sflag:s8] =	ssyncset.s32 @!p0 $0xFFFFF086;
	s6 =	sadd.s32 @!p0 s3, s7;
	s7 =	simm.s32 @!p0 $0x108  }
0x21: {  	s3 =	sadd.s32 s3, s9;
	s6 =	sadd.s32 @!p0 $0x88, s6;
	s7 =	simm.s32 @p2 $0x1082  }
0x22: {  	[simem:s7], [sflag:s8] =	dma.local @!p0 [hbm:s6], $0xF7A  }
0x23: {  	s9 =	sor.u32 $0xD0000000, s2;
	s6 =	simm.s32 $0x108;
	_ =	swait.ge @!p0 [sflag:s8], $0x0  }
0x24: {  	s3 =	sadd.s32 $0x88, s3;
	s6 =	simm.s32 @!p1 $0x1082;
	[sflag:s4] =	ssyncset.s32 $0xFFFFF086  }
0x25: {  	[simem:s6], [sflag:s4] =	dma.local [hbm:s3], $0xF7A  }
0x26: {  	[smem:$0x3F9F] =	sst s1;
	(tag) =	ssettag s2;
	_ =	strace s9  }
0x27: {  	s1 =	sld [smem:$0x3FAF]  }
0x28: {  	s2 =	sld [smem:$0x3FB0]  }
0x29: {  	s4 =	sld [smem:$0x3FB2]  }
0x2a: {  	p0 =	seq.s32 s5, $0x0;
	s5 =	sld [smem:$0x3FB3]  }
0x2b: {  	s6 =	sld [smem:$0x3FB4]  }
0x2c: {  	s7 =	sld [smem:$0x3FB5]  }
0x2d: {  	s3 =	simm.s32 $0x108;
	s8 =	sld [smem:$0x3FB6]  }
0x2e: {  	s3 =	simm.s32 @!p0 $0x1082;
	s9 =	sld [smem:$0x3FB7]  }
0x2f: {  	lr =	sadd.s32 s0, s3;
	s0 =	sld [smem:$0x3FAE]  }
0x30: {  	s3 =	sld [smem:$0x3FB1]  }
0x31: {  	[smem:$0x3FBA] =	sst s10  }
0x32: {  	s10 =	sld [smem:$0x3FB8];
	_ =	sdelay $0x3  }
0x33: {  	p0 =	seq.s32 s10, $0x1;
	s10 =	sld [smem:$0x3FBA];
	_ =	sdelay $0x3  }
0x34: {  	[smem:$0x3FBA] =	sst s10  }
0x35: {  	s10 =	sld [smem:$0x3FB9];
	_ =	sdelay $0x3  }
0x36: {  	p1 =	seq.s32 s10, $0x1;
	s10 =	sld [smem:$0x3FBA];
	_ =	sdelay $0x3  }
0x37: {  	[smem:$0x3FBA] =	sst s10  }
0x38: {  	s10 =	sld [smem:$0x3FBB]  }
0x39: {  	_ = 	snop;
	(pc) =	sbr.ind lr, $3  }
0x3a: {  	_ = 	snop  }
0x3b: {  	_ = 	snop  }
0x3c: {  	p2 =	seq.s32 s10, $0x1;
	s10 =	sld [smem:$0x3FBA]  }
0x3d: {  	_ =	shalt  }
0x3e: {  	_ =	shalt  }
0x3f: {  	_ =	shalt  }
0x40: {  	_ =	shalt  }
0x41: {  	_ =	shalt  }
0x42: {  	_ =	shalt  }
0x43: {  	_ =	shalt  }
0x44: {  	_ =	shalt  }
0x45: {  	_ =	shalt  }
0x46: {  	_ =	shalt  }
0x47: {  	_ =	shalt  }
0x48: {  	_ =	shalt  }
0x49: {  	_ =	shalt  }
0x4a: {  	_ =	shalt  }
0x4b: {  	_ =	shalt  }
0x4c: {  	_ =	shalt  }
0x4d: {  	_ =	shalt  }
0x4e: {  	_ =	shalt  }
0x4f: {  	_ =	shalt  }
0x50: {  	_ =	shalt  }
0x51: {  	_ =	shalt  }
0x52: {  	_ =	shalt  }
0x53: {  	_ =	shalt  }
0x54: {  	_ =	shalt  }
0x55: {  	_ =	shalt  }
0x56: {  	_ =	shalt  }
0x57: {  	_ =	shalt  }
0x58: {  	_ =	shalt  }
0x59: {  	_ =	shalt  }
0x5a: {  	_ =	shalt  }
0x5b: {  	_ =	shalt  }
0x5c: {  	_ =	shalt  }
0x5d: {  	_ =	shalt  }
0x5e: {  	_ =	shalt  }
0x5f: {  	_ =	shalt  }
0x60: {  	_ =	shalt  }
0x61: {  	_ =	shalt  }
0x62: {  	_ =	shalt  }
0x63: {  	_ =	shalt  }
0x64: {  	_ =	shalt  }
0x65: {  	_ =	shalt  }
0x66: {  	_ =	shalt  }
0x67: {  	_ =	shalt  }
0x68: {  	_ =	shalt  }
0x69: {  	_ =	shalt  }
0x6a: {  	_ =	shalt  }
0x6b: {  	_ =	shalt  }
0x6c: {  	_ =	shalt  }
0x6d: {  	_ =	shalt  }
0x6e: {  	_ =	shalt  }
0x6f: {  	_ =	shalt  }
0x70: {  	_ =	shalt  }
0x71: {  	_ =	shalt  }
0x72: {  	_ =	shalt  }
0x73: {  	_ =	shalt  }
0x74: {  	_ =	shalt  }
0x75: {  	_ =	shalt  }
0x76: {  	_ =	shalt  }
0x77: {  	_ =	shalt  }
0x78: {  	_ =	shalt  }
0x79: {  	_ =	shalt  }
0x7a: {  	_ =	shalt  }
0x7b: {  	_ =	shalt  }
0x7c: {  	_ =	shalt  }
0x7d: {  	_ =	shalt  }
0x7e: {  	_ =	shalt  }
0x7f: {  	_ =	shalt  }
0x80: {  	_ =	shalt  }
0x81: {  	_ =	shalt  }
0x82: {  	_ =	shalt  }
0x83: {  	_ =	shalt  }
0x84: {  	_ =	shalt  }
0x85: {  	_ =	shalt  }
0x86: {  	_ =	shalt  }
0x87: {  	_ =	shalt  }
.Lfunc_end0:
.L_simem_size_0:
called_computation_lowered:
.L_overlay_start_0:
0x88: {  	s2 =	sld [smem:$0x3FD9]  }
0x89: {  	s3 =	sld [smem:$0x3FFE];
	_ =	sdelay $0x1  }
0x8a: {  	s1 =	srdreg.scid  }
0x8b: {  	s0 =	sand.u32 $0x1, s1  }
0x8c: {  	s18 =	sshll.u32 s0, $0xA;
	s2 =	sadd.s32 s3, s2  }
0x8d: {  	s2 =	sadd.s32 s2, s18  }
0x8e: {  	[smem:$0x3FC6] =	sst s2  }
0x8f: {  	_ = 	snop  }
0x90: {  	s2 =	sld [smem:$0x3FC9]  }
0x91: {  	s19 =	sld [smem:$0x3FC8]  }
0x92: {  	s4 =	sld [smem:$0x3FD0];
	(tm) =	ssettm $0x1  }
0x93: {  	s5 =	sld [smem:$0x3FFB];
	_ =	sdelay $0x3  }
0x94: {  	_ =	strace s5  }
0x95: {  	s5 =	sld [smem:$0x3FFC];
	_ =	sdelay $0x3  }
0x96: {  	_ =	strace s5  }
0x97: {  	s5 =	sld [smem:$0x3FFD];
	_ =	sdelay $0x3  }
0x98: {  	_ =	strace s5  }
0x99: {  	_ =	strace $0x8FFFFFFF  }
0x9a: {  	s20 =	sld [smem:$0x3FDB];
	_ =	sdelay $0x1  }
0x9b: {  	s6 =	simm.s32 $_scs_section_size  }
0x9c: {  	s7 =	simm.s32 $_size__tile_overlayer_lowered;
	s8 =	simm.s32 $_tile_overlayer_lowered  }
0x9d: {  	s23 =	simm.s32 $0x1BFF;
	s22 =	sshll.u32 s8, $0x1;
	s5 =	sadd.s32 s6, s20  }
0x9e: {  	s9 =	simm.s32 $0x0;
	s21 =	sshll.u32 s7, $0x1;
	s7 =	sadd.s32 s22, s5  }
0x9f: {  	[timem:s9], [sflag:s23] =	dma.local [hbm:s7], s21  }
0xa0: {  	_ =	swait.ge [sflag:s23], s21  }
0xa1: {  	s6 =	ssub.s32 $0x0, s21;
	[sflag:s23] =	ssyncset.done $0x0  }
0xa2: {  	[sflag:s23] =	ssyncadd.s32 s6;
	_ =	sdelay $0x1  }
0xa3: {  	s24 =	simm.s32 $0x1B8B  }
0xa4: {  	_ =	swait.ge [sflag:s24], $0x1  }
0xa5: {  	[sflag:s24] =	ssyncset.done $0x0  }
0xa6: {  	s25 =	simm.s32 $0x1B8E;
	[sflag:s24] =	ssyncadd.s32 $0xFFFFFFFF  }
0xa7: {  	s26 =	simm.s32 $execute0_lowered;
	[smem:$0x3FD2] =	sst s25  }
0xa8: {  	s6 =	sshll.u32 s26, $0x1;
	_ =	strace $0x80000046;
	[dreg:$0x1] =	wrdreg $0xFFFFFFFF  }
0xa9: {  	s28 =	simm.s32 $_size_execute0_lowered;
	s5 =	sadd.s32 s5, s6;
	[dreg:$0x0] =	wrdreg $0x0  }
0xaa: {  	s6 =	sshll.u32 s28, $0x1;
	[dreg:$0x2] =	wrdreg s5  }
0xab: {  	[dreg:$0x3] =	wrdreg s6  }
0xac: {  	[dreg:$0x4] =	wrdreg $0xC0  }
0xad: {  	_ =	task [dreg:s9], $0x5FFFF  }
0xae: {  	[dreg:$0x1] =	wrdreg $0xFFFFFFFF  }
0xaf: {  	[dreg:$0x0] =	wrdreg $0x60  }
0xb0: {  	[dreg:$0x2] =	wrdreg s2  }
0xb1: {  	[dreg:$0x3] =	wrdreg s19  }
0xb2: {  	[dreg:$0x4] =	wrdreg s4  }
0xb3: {  	[dreg:$0x5] =	wrdreg $0x9  }
0xb4: {  	_ =	task.clear_ibuf [dreg:s9], $0x6FFFF;
	_ =	strace $0x90000046  }
0xb5: {  	s29 =	simm.s32 $0x9;
	_ =	strace $0x80000048  }
0xb6: {  	_ =	swait.ge [sflag:s29], $0x1  }
0xb7: {  	[sflag:s29] =	ssyncadd.s32 $0xFFFFFFFF  }
0xb8: {  	_ =	strace $0x90000048  }
0xb9: {  	_ =	sfence  }
0xba: {  	s30 =	sld [smem:$0x0];
	_ =	sdelay $0x2  }
0xbb: {  	s31 =	sshll.u32 s1, $0xD;
	s1 =	sshrl.u32 s1, $0x2  }
0xbc: {  	s3 =	sand.u32 $0x4000, s31;
	s1 =	sadd.s32 s1, s30  }
0xbd: {  	s0 =	sor.u32 s3, s0;
	s1 =	sshll.u32 s1, $0x11  }
0xbe: {  	s0 =	sor.u32 s1, s0  }
0xbf: {  	s0 =	sadd.s32 $0x8F2B, s0  }
0xc0: {  	[sflag:s0] =	ssyncadd.remote.s32 $0x1  }
0xc1: {  	_ =	sfence.sel $0xFFFF  }
0xc2: {  	[dreg:$0x0] =	wrdreg $0xFFFFFFFF;
	(pc) =	sbr.abs _section_cstart, $3  }
0xc3: {  	[dreg:$0x1] =	wrdreg $0xFFFFFFFF  }
0xc4: {  	_ =	task.clear_ibuf [dreg:s9], $0x2FFFF;
	_ =	strace $0x9FFFFFFF  }
0xc5: {  	(tm) =	ssettm $0x7FFFFFFF  }
tec
execute0_lowered:
.L_overlay_start_1:
0x0: {  	(tag) =	ssettag $0x1  }
0x1: {  	v0 =	vimm.s32 $0xFEDCBA98;
	v1 =	vimm.s32 $0x76543210  }
0x2: {  	v2 =	vimm.s32 $0xBA98FEDC;
	v3 =	vimm.s32 $0x32107654;
	v4 =	vimm.s32 $0xDCFE98BA  }
0x3: {  	v5 =	vimm.s32 $0x54761032;
	v6 =	vimm.s32 $0xEFCDAB89;
	v7 =	vimm.s32 $0x67452301  }
0x4: {  	v0 =	vunpack.c.l.s4.s8 v0;
	v1 =	vunpack.c.l.s4.s8 v1;
	v2 =	vunpack.c.l.s4.s8 v2  }
0x5: {  	s0 =	rddreg [dreg:$0x0];
	v3 =	vunpack.c.l.s4.s8 v3;
	v4 =	vunpack.c.l.s4.s8 v4;
	v5 =	vunpack.c.l.s4.s8 v5  }
0x6: {  	s1 =	rddreg [dreg:$0x1];
	s2 =	srdreg.scid;
	v6 =	vunpack.c.l.s4.s8 v6;
	v7 =	vunpack.c.l.s4.s8 v7;
	v0 =	vunpack.c.0.s8.s32 v0  }
0x7: {  	s3 =	rddreg [dreg:$0x2];
	s4 =	simm.s32 $0x0;
	s5 =	stileid.u32;
	v2 =	vunpack.c.0.s8.s32 v2;
	v3 =	vunpack.c.0.s8.s32 v3;
	v4 =	vunpack.c.0.s8.s32 v4  }
.Ltmp0:
0x8: {  	s9 =	simm.s32 $0x100;
	s6 =	sand.u32 $0x1, s2;
	v5 =	vunpack.c.0.s8.s32 v5;
	v6 =	vunpack.c.0.s8.s32 v6;
	v7 =	vunpack.c.0.s8.s32 v7;
	(pc) =	sbr.rel .LBB2_1-.Ltmp0, $4  }
0x9: {  	s10 =	simm.s32 $0x0;
	s2 =	rddreg [dreg:$0x3];
	s7 =	ssub.s32 $0x2, s6;
	v1 =	vunpack.c.0.s8.s32 v1;
	v2 =	vcombine.low v3, v2  }
0xa: {  	[smem:$0x7FF] =	sst s4;
	s31 =	sshll.u32 s5, $0xD;
	s8 =	sshrl.u32 s7, $0x1;
	v3 =	vcombine.low v5, v4;
	v4 =	vand.u32 $0xF, v0;
	v5 =	vcombine.low v7, v6  }
0xb: {  	s6 =	sshll.u32 s6, $0xC;
	_ =	strace $0x80000047;
	s7 =	ssub.s32 s7, s8;
	v0 =	vlaneseq.u32;
	v1 =	vcombine.low v4, v1;
	v2 =	vand.u32 $0xF, v2  }
0xc: {  	s6 =	sor.u32 s6, s31;
	s8 =	simm.s32 $0x1;
	s7 =	smax.u32 s7, $0x1;
	v3 =	vand.u32 $0xF, v3;
	v4 =	vand.u32 $0xF, v5;
	v5 =	vimm.f32 $0.0e+00  }
.LBB2_20:
0xd: {  	s10 =	sadd.s32 $0x1, s10  }
0xe: {  	p0 =	sne.s32 s10, s7  }
.Ltmp1:
0xf: {  	_ = 	snop;
	(pc) =	sbr.rel @!p0 .LBB2_21-.Ltmp1, $1  }
0x10: {  	_ =	sdelay $0x3  }
.LBB2_1:
0x11: {  	[tilespmem:s4], [sflag:$0x1] =	stream.linear.gather [hbm4b:s1+s4], $0x80, $0x38;
	[tilespmem:$0x4100] =	vst v63  }
0x12: {  	_ =	swait.ge [sflag:s8], $0x80  }
0x13: {  	[sflag:s8] =	ssyncset.done $0x0  }
0x14: {  	[sflag:s8] =	ssyncadd.s32 $0xFFFFFF80  }
0x15: {  	v7 =	vld [tilespmem:$0x0];
	_ =	sdelay $0x4  }
0x16: {  	(v2sf) =	vpush v7, $0x0;
	_ =	sdelay $0xe  }
0x17: {  	s11 =	spop (v2sf)  }
0x18: {  	s12 =	scvt.s32.f32 s11  }
0x19: {  	s13 =	sshra.s32 s11, $0x1F;
	s14 =	sand.u32 $0x7F, s11  }
0x1a: {  	p0 =	slt.s32 s11, $0x1;
	p1 =	sne.s32 s14, $0x0;
	s24 =	sadd.f32 $-1.000000000e+00, s12  }
0x1b: {  	s13 =	sshrl.u32 s13, $0x19;
	p0 =	por !p0, !p1;
	v6 =	vmov s12  }
0x1c: {  	s11 =	sadd.s32 s13, s11;
	s12 =	simm.s32 $0x1;
	p0 =	por !p0, !p0;
	(erf) = vrcp.f32 v6;
	v8 =	vmov s24  }
0x1d: {  	s11 =	sshra.s32 s11, $0x7;
	s12 =	simm.s32 @!p0 $0x0;
	(erf) = vrcp.f32 v8  }
0x1e: {  	s11 =	ssub.s32 s11, s12  }
0x1f: {  	s12 =	sshll.u32 s11, $0x7  }
0x20: {  	s26 =	sor.u32 $0x10, s12;
	s28 =	sor.u32 $0x20, s12  }
0x21: {  	v10 =	vbroadcast v7, $0x0;
	v9 =	vor.u32 s12, v0;
	s15 =	sor.u32 $0x30, s12;
	s16 =	sor.u32 $0x40, s12;
	s29 =	sor.u32 $0x50, s12;
	v11 =	vor.u32 s26, v0  }
.Ltmp2:
0x22: {  	s30 =	sor.u32 $0x60, s12;
	s12 =	sor.u32 $0x70, s12;
	v8 =	vor.u32 s28, v0;
	v12 =	vor.u32 s15, v0;
	v7 =	vor.u32 s29, v0;
	(pc) =	sbr.rel .LBB2_2-.Ltmp2, $4  }
0x23: {  	s25 =	sshll.u32 s11, $0xC;
	v13 =	vor.u32 s16, v0;
	v14 =	vor.u32 s30, v0;
	v15 =	vor.u32 s12, v0  }
0x24: {  	p3 =	por $0x1, $0x1;
	s31 =	sshra.s32 s25, $0x2;
	vm7 =	vlt.s32 v9, v10;
	vm0 =	vlt.s32 v15, v10;
	vm1 =	vlt.s32 v14, v10  }
0x25: {  	s13 =	ssub.s32 $0xF, s11;
	p0 =	slt.s32 s11, $0x1;
	s12 =	sor.u32 $0x100, s31;
	vm2 =	vlt.s32 v7, v10;
	vm3 =	vlt.s32 v13, v10;
	vm4 =	vlt.s32 v12, v10;
	v7 =	vpop (erf)  }
0x26: {  	p1 =	sgt.s32 s11, $0xE;
	s14 =	sadd.s32 $0x570, s31;
	s15 =	simm.s32 $0x0;
	vm5 =	vlt.s32 v8, v10;
	vm6 =	vlt.s32 v11, v10;
	v9 =	vmov s12;
	v8 =	vpop (erf)  }
.LBB2_19:
.Ltmp3:
0x27: {  	s15 =	sadd.s32 s3, s15;
	(pc) =	sbr.rel @!p2 .LBB2_20-.Ltmp3, $4  }
0x28: {  	[hbm4b:s15+s4] =	stream.linear.scatter [tilespmem:s9], [sflag:$0x1], $0x4000, $0x38;
	[tilespmem:$0x4100] =	vst v63  }
0x29: {  	_ =	swait.ge [sflag:s8], $0x4000  }
0x2a: {  	[sflag:s8] =	ssyncset.done $0x0  }
0x2b: {  	p3 =	por $0x0, $0x0;
	s15 =	simm.s32 $0x800;
	[sflag:s8] =	ssyncadd.s32 $0xFFFFC000  }
.LBB2_2:
0x2c: {  	s15 =	sor.u32 s6, s15  }
.Ltmp4:
0x2d: {  	s16 =	simm.s32 $0x0;
	s17 =	sadd.s32 s0, s15;
	(pc) =	sbr.rel .LBB2_3-.Ltmp4, $4  }
0x2e: {  	[tilespmem:s9], [sflag:$0x1] =	stream.linear.gather [hbm4b:s17+s16], $0x4000, $0x38;
	[tilespmem:$0x4100] =	vst v63  }
0x2f: {  	_ =	swait.ge [sflag:s8], $0x4000  }
0x30: {  	p2 =	por p3, p3;
	[sflag:s8] =	ssyncset.done $0x0  }
0x31: {  	s18 =	smov.u32 s14;
	s17 =	simm.s32 $0x140;
	[sflag:s8] =	ssyncadd.s32 $0xFFFFC000  }
.LBB2_17:
0x32: {  	[tilespmem:s20+$0xFFFFFFA0] =	vst v5  }
.LBB2_18:
0x33: {  	s16 =	sadd.s32 $0x1, s16  }
0x34: {  	p3 =	sne.s32 s16, $0x8  }
.Ltmp5:
0x35: {  	_ = 	snop;
	(pc) =	sbr.rel @!p3 .LBB2_19-.Ltmp5, $2  }
0x36: {  	_ =	sdelay $0x2  }
0x37: {  	s17 =	sadd.s32 $0x80, s17;
	s18 =	sadd.s32 $0x80, s18  }
.LBB2_3:
.Ltmp6:
0x38: {  	(pc) =	sbr.rel @p0 .LBB2_4-.Ltmp6, $2  }
0x39: {  	_ =	sdelay $0x2  }
0x3a: {  	v10 =	vimm.f32 $0.0e+00  }
0x3b: {  	p4 =	sne.s32 s11, $0x1  }
.Ltmp7:
0x3c: {  	_ = 	snop;
	(pc) =	sbr.rel @!p4 .LBB2_6-.Ltmp7, $2  }
0x3d: {  	_ =	sdelay $0x2  }
0x3e: {  	v11 =	vld [tilespmem:s17+$0xFFFFFFC0];
	s20 =	sadd.s32 $0xFFFFFFFF, s11;
	p3 =	por $0x0, $0x0  }
0x3f: {  	_ = 	snop  }
0x40: {  	v12 =	vld [tilespmem:s17+$0xFFFFFFD0];
	_ =	sdelay $0x1  }
0x41: {  	v13 =	vld [tilespmem:s17+$0xFFFFFFE0]  }
0x42: {  	v14 =	vmul.f32 v11, v11  }
0x43: {  	v15 =	vld [tilespmem:s17+$0xFFFFFFF0]  }
0x44: {  	v11 =	vadd.f32 v11, v10;
	v16 =	vmul.f32 v12, v12;
	v14 =	vadd.f32 v14, v10  }
0x45: {  	v17 =	vld [tilespmem:s17+$0x0]  }
0x46: {  	v11 =	vadd.f32 v12, v11;
	v14 =	vadd.f32 v16, v14;
	v16 =	vmul.f32 v13, v13  }
0x47: {  	v12 =	vld [tilespmem:s17+$0x10]  }
0x48: {  	p4 =	sne.s32 s20, $0x1;
	v11 =	vadd.f32 v13, v11;
	v14 =	vadd.f32 v16, v14;
	v16 =	vmul.f32 v15, v15  }
.Ltmp8:
0x49: {  	v13 =	vld [tilespmem:s17+$0x20];
	(pc) =	sbr.rel @!p4 .LBB2_9-.Ltmp8, $4  }
0x4a: {  	v18 =	vmul.f32 v17, v17;
	v11 =	vadd.f32 v15, v11;
	v16 =	vadd.f32 v16, v14  }
0x4b: {  	v14 =	vld [tilespmem:s17+$0x30]  }
0x4c: {  	s19 =	sadd.s32 $0x400, s17;
	v15 =	vadd.f32 v17, v11;
	v17 =	vmul.f32 v12, v12;
	v16 =	vadd.f32 v18, v16  }
0x4d: {  	s20 =	sadd.s32 $0xFFFFFFFF, s20;
	p3 =	por $0x1, $0x1;
	v11 =	vld [tilespmem:s19+$0xFFFFFFC0]  }
.LBB2_8:
0x4e: {  	p4 =	sne.s32 s20, $0x1;
	v12 =	vadd.f32 v12, v15;
	v15 =	vadd.f32 v17, v16;
	v16 =	vmul.f32 v13, v13  }
0x4f: {  	v17 =	vld [tilespmem:s19+$0xFFFFFFD0]  }
0x50: {  	v12 =	vadd.f32 v13, v12;
	v13 =	vadd.f32 v16, v15;
	v15 =	vmul.f32 v14, v14  }
0x51: {  	v16 =	vld [tilespmem:s19+$0xFFFFFFE0]  }
0x52: {  	v18 =	vmul.f32 v11, v11;
	v12 =	vadd.f32 v14, v12;
	v13 =	vadd.f32 v15, v13  }
0x53: {  	v14 =	vld [tilespmem:s19+$0xFFFFFFF0]  }
0x54: {  	v11 =	vadd.f32 v11, v12;
	v12 =	vadd.f32 v18, v13;
	v13 =	vmul.f32 v17, v17  }
0x55: {  	v15 =	vld [tilespmem:s19+$0x0]  }
0x56: {  	v11 =	vadd.f32 v17, v11;
	v13 =	vadd.f32 v13, v12;
	v17 =	vmul.f32 v16, v16  }
0x57: {  	v12 =	vld [tilespmem:s19+$0x10]  }
0x58: {  	v11 =	vadd.f32 v16, v11;
	v16 =	vadd.f32 v17, v13;
	v17 =	vmul.f32 v14, v14  }
.Ltmp9:
0x59: {  	v13 =	vld [tilespmem:s19+$0x20];
	(pc) =	sbr.rel @p4 .LBB2_8-.Ltmp9, $4  }
0x5a: {  	v11 =	vadd.f32 v14, v11;
	v16 =	vadd.f32 v17, v16;
	v17 =	vmul.f32 v15, v15  }
0x5b: {  	v14 =	vld [tilespmem:s19+$0x30]  }
0x5c: {  	s19 =	sadd.s32 $0x400, s19;
	v15 =	vadd.f32 v15, v11;
	v16 =	vadd.f32 v17, v16;
	v17 =	vmul.f32 v12, v12  }
0x5d: {  	s20 =	sadd.s32 $0xFFFFFFFF, s20;
	v11 =	vld [tilespmem:s19+$0xFFFFFFC0]  }
.LBB2_9:
0x5e: {  	v12 =	vadd.f32 @p3 v12, v15;
	v15 =	vadd.f32 @p3 v17, v16;
	v16 =	vmul.f32 @p3 v13, v13;
	_ =	sdelay $0x1  }
0x5f: {  	v49 =	vld [tilespmem:s19+$0xFFFFFFD0];
	v12 =	vadd.f32 @p3 v13, v12;
	v13 =	vadd.f32 @p3 v16, v15;
	v15 =	vmul.f32 @p3 v14, v14;
	_ =	sdelay $0x1  }
0x60: {  	v50 =	vld [tilespmem:s19+$0xFFFFFFE0];
	v12 =	vadd.f32 @p3 v14, v12;
	v13 =	vadd.f32 @p3 v15, v13  }
0x61: {  	v51 =	vmul.f32 v11, v11  }
0x62: {  	v52 =	vld [tilespmem:s19+$0xFFFFFFF0];
	v12 =	vpsel p3, v12, v10;
	v10 =	vpsel p3, v13, v10  }
0x63: {  	v53 =	vmul.f32 v49, v49;
	v11 =	vadd.f32 v11, v12;
	v10 =	vadd.f32 v51, v10  }
0x64: {  	v54 =	vld [tilespmem:s19+$0x0]  }
0x65: {  	v55 =	vmul.f32 v50, v50;
	v11 =	vadd.f32 v49, v11;
	v10 =	vadd.f32 v53, v10  }
0x66: {  	v56 =	vld [tilespmem:s19+$0x10]  }
0x67: {  	v57 =	vmul.f32 v52, v52;
	v11 =	vadd.f32 v50, v11;
	v10 =	vadd.f32 v55, v10  }
0x68: {  	v58 =	vld [tilespmem:s19+$0x20]  }
0x69: {  	v59 =	vmul.f32 v54, v54;
	v11 =	vadd.f32 v52, v11;
	v10 =	vadd.f32 v57, v10  }
0x6a: {  	v60 =	vld [tilespmem:s19+$0x30]  }
0x6b: {  	v61 =	vmul.f32 v56, v56;
	v11 =	vadd.f32 v54, v11;
	v10 =	vadd.f32 v59, v10;
	_ =	sdelay $0x1  }
.Ltmp10:
0x6c: {  	v62 =	vmul.f32 v58, v58;
	v11 =	vadd.f32 v56, v11;
	v10 =	vadd.f32 v61, v10;
	(pc) =	sbr.rel .LBB2_10-.Ltmp10, $3  }
0x6d: {  	_ = 	snop  }
0x6e: {  	v63 =	vmul.f32 v60, v60;
	v11 =	vadd.f32 v58, v11;
	v12 =	vadd.f32 v62, v10;
	_ =	sdelay $0x1  }
0x6f: {  	v10 =	vadd.f32 v60, v11;
	v11 =	vadd.f32 v63, v12  }
.LBB2_4:
0x70: {  	v11 =	vimm.f32 $0.0e+00  }
.LBB2_10:
0x71: {  	_ =	sdelay $0x2  }
0x72: {  	s19 =	sshll.u32 s16, $0x7  }
0x73: {  	v12 =	vld.idx.msk [tilespmem:v9+s19+$0x0 ss:$0x1], $0xffff;
	_ =	sdelay $0x1  }
0x74: {  	v13 =	vld.idx.msk [tilespmem:v9+s19+$0x10 ss:$0x1], $0xffff;
	_ =	sdelay $0x1  }
0x75: {  	v14 =	vld.idx.msk [tilespmem:v9+s19+$0x20 ss:$0x1], $0xffff  }
0x76: {  	v12 =	vnsel vm7, $0x0, v12  }
0x77: {  	v15 =	vld.idx.msk [tilespmem:v9+s19+$0x30 ss:$0x1], $0xffff;
	v10 =	vadd.f32 v12, v10  }
0x78: {  	v13 =	vnsel vm6, $0x0, v13  }
0x79: {  	v16 =	vld.idx.msk [tilespmem:v9+s19+$0x40 ss:$0x1], $0xffff;
	v10 =	vadd.f32 v13, v10  }
0x7a: {  	v14 =	vnsel vm5, $0x0, v14  }
0x7b: {  	v17 =	vld.idx.msk [tilespmem:v9+s19+$0x50 ss:$0x1], $0xffff;
	v12 =	vmul.f32 v12, v12;
	v10 =	vadd.f32 v14, v10  }
0x7c: {  	v15 =	vnsel vm4, $0x0, v15  }
0x7d: {  	v46 =	vld.idx.msk [tilespmem:v9+s19+$0x60 ss:$0x1], $0xffff;
	v45 =	vmul.f32 v13, v13;
	v11 =	vadd.f32 v12, v11;
	v10 =	vadd.f32 v15, v10  }
0x7e: {  	v16 =	vnsel vm3, $0x0, v16  }
0x7f: {  	v48 =	vld.idx.msk [tilespmem:v9+s19+$0x70 ss:$0x1], $0xffff;
	v47 =	vmul.f32 v14, v14;
	v11 =	vadd.f32 v45, v11;
	v10 =	vadd.f32 v16, v10  }
0x80: {  	v17 =	vnsel vm2, $0x0, v17  }
0x81: {  	v49 =	vmul.f32 v15, v15;
	v11 =	vadd.f32 v47, v11;
	v10 =	vadd.f32 v17, v10  }
0x82: {  	v13 =	vnsel vm1, $0x0, v46  }
0x83: {  	v50 =	vmul.f32 v16, v16;
	v11 =	vadd.f32 v49, v11;
	v10 =	vadd.f32 v13, v10  }
0x84: {  	v14 =	vnsel vm0, $0x0, v48  }
0x85: {  	v51 =	vmul.f32 v17, v17;
	v11 =	vadd.f32 v50, v11;
	v10 =	vadd.f32 v14, v10;
	_ =	sdelay $0x1  }
0x86: {  	v52 =	vmul.f32 v13, v13;
	v11 =	vadd.f32 v51, v11;
	v53 =	vperm.xlane v10, v1;
	_ =	sdelay $0x1  }
0x87: {  	v54 =	vmul.f32 v14, v14;
	v11 =	vadd.f32 v52, v11;
	v10 =	vadd.f32 v10, v53;
	_ =	sdelay $0x1  }
0x88: {  	v11 =	vadd.f32 v54, v11;
	v55 =	vperm.xlane v10, v2;
	_ =	sdelay $0x1  }
0x89: {  	v56 =	vperm.xlane v11, v1;
	v10 =	vadd.f32 v55, v10;
	_ =	sdelay $0x1  }
0x8a: {  	v11 =	vadd.f32 v11, v56;
	v12 =	vperm.xlane v10, v3;
	_ =	sdelay $0x1  }
0x8b: {  	v13 =	vperm.xlane v11, v2;
	v10 =	vadd.f32 v12, v10;
	_ =	sdelay $0x1  }
0x8c: {  	v11 =	vadd.f32 v13, v11;
	v12 =	vperm.xlane v10, v4;
	_ =	sdelay $0x1  }
0x8d: {  	v13 =	vperm.xlane v11, v3;
	v10 =	vadd.f32 v12, v10;
	_ =	sdelay $0x1  }
0x8e: {  	v11 =	vadd.f32 v13, v11;
	v10 =	vmul.f32 v10, v7;
	_ =	sdelay $0x1  }
0x8f: {  	v57 =	vperm.xlane v11, v4;
	v58 =	vmul.f32 v10, v6;
	_ =	sdelay $0x1  }
0x90: {  	v11 =	vadd.f32 v57, v11;
	v59 =	vmul.f32 v58, v10;
	_ =	sdelay $0x1  }
0x91: {  	v11 =	vsub.f32 v11, v59;
	_ =	sdelay $0x1  }
0x92: {  	v11 =	vmul.f32 v11, v8;
	_ =	sdelay $0x1  }
0x93: {  	v11 =	vmax.f32 v11, $1.000000000e-30  }
0x94: {  	v60 =	vshrl.u32 v11, $0x1;
	v61 =	vmul.f32 $5.000000000e-01, v11  }
0x95: {  	v12 =	vsub.s32 $0x5F3759DF, v60  }
0x96: {  	v62 =	vmul.f32 v12, v61;
	_ =	sdelay $0x1  }
0x97: {  	v14 =	vmul.f32 v12, v62;
	_ =	sdelay $0x1  }
0x98: {  	v14 =	vsub.f32 $1.500000000e+00, v14;
	_ =	sdelay $0x1  }
0x99: {  	v14 =	vmul.f32 v12, v14;
	_ =	sdelay $0x1  }
0x9a: {  	v63 =	vmul.f32 v14, v61;
	_ =	sdelay $0x1  }
0x9b: {  	v15 =	vmul.f32 v63, v14;
	_ =	sdelay $0x1  }
0x9c: {  	v15 =	vsub.f32 $1.500000000e+00, v15;
	_ =	sdelay $0x1  }
0x9d: {  	v14 =	vmul.f32 v15, v14;
	_ =	sdelay $0x1  }
0x9e: {  	v13 =	vmul.f32 v14, v61;
	_ =	sdelay $0x1  }
0x9f: {  	v13 =	vmul.f32 v13, v14;
	_ =	sdelay $0x1  }
0xa0: {  	v13 =	vsub.f32 $1.500000000e+00, v13;
	_ =	sdelay $0x1  }
0xa1: {  	v13 =	vmul.f32 v13, v14;
	_ =	sdelay $0x1  }
0xa2: {  	v11 =	vmul.f32 v13, v11;
	_ =	sdelay $0x1  }
0xa3: {  	v11 =	vadd.f32 $9.999999740e-06, v11;
	_ =	sdelay $0x1  }
0xa4: {  	(erf) = vrcp.f32 v11;
	_ =	sdelay $0x4  }
.Ltmp11:
0xa5: {  	_ = 	snop;
	(pc) =	sbr.rel @p0 .LBB2_14-.Ltmp11, $2  }
0xa6: {  	_ =	sdelay $0x2  }
0xa7: {  	s19 =	sadd.s32 s19, s12;
	[tilespmem:$0x80] =	vst v12;
	v11 =	vpop (erf)  }
0xa8: {  	v12 =	vld [tilespmem:s17+$0xFFFFFFC0]  }
0xa9: {  	v17 =	vld [tilespmem:s17+$0xFFFFFFD0];
	p3 =	sne.s32 s11, $0x1  }
.Ltmp12:
0xaa: {  	v16 =	vld [tilespmem:s17+$0xFFFFFFE0];
	(pc) =	sbr.rel @!p3 .LBB2_13-.Ltmp12, $4  }
0xab: {  	v15 =	vld [tilespmem:s17+$0x0]  }
0xac: {  	v14 =	vld [tilespmem:s17+$0x10]  }
0xad: {  	v13 =	vld [tilespmem:s17+$0x20];
	v18 =	vsub.f32 v12, v10  }
0xae: {  	s22 =	sadd.s32 $0xFFFFFFFF, s11;
	s21 =	smov.u32 s17;
	s20 =	smov.u32 s17;
	v17 =	vsub.f32 v17, v10;
	v12 =	vld [tilespmem:s17+$0x30]  }
.LBB2_12:
0xaf: {  	p3 =	sne.s32 s22, $0x1;
	v18 =	vmul.f32 v18, v11;
	v16 =	vsub.f32 v16, v10;
	v19 =	vld [tilespmem:s21+$0xFFFFFFF0]  }
0xb0: {  	v17 =	vmul.f32 v17, v11;
	v15 =	vsub.f32 v15, v10  }
0xb1: {  	s21 =	sadd.s32 $0x400, s21;
	[tilespmem:s20+$0xFFFFFFC0] =	vst v18;
	v16 =	vmul.f32 v16, v11;
	v14 =	vsub.f32 v14, v10  }
0xb2: {  	v18 =	vld [tilespmem:s21+$0xFFFFFFC0];
	[tilespmem:s20+$0xFFFFFFD0] =	vst v17;
	v15 =	vmul.f32 v15, v11;
	v13 =	vsub.f32 v13, v10  }
0xb3: {  	v17 =	vld [tilespmem:s21+$0xFFFFFFD0];
	[tilespmem:s20+$0xFFFFFFE0] =	vst v16;
	v14 =	vmul.f32 v14, v11;
	v12 =	vsub.f32 v12, v10  }
.Ltmp13:
0xb4: {  	v16 =	vld [tilespmem:s21+$0xFFFFFFE0];
	v19 =	vsub.f32 v19, v10;
	[tilespmem:s20+$0x0] =	vst v15;
	v13 =	vmul.f32 v13, v11;
	(pc) =	sbr.rel @p3 .LBB2_12-.Ltmp13, $4  }
0xb5: {  	v15 =	vld [tilespmem:s21+$0x0];
	[tilespmem:s20+$0x10] =	vst v14;
	v12 =	vmul.f32 v12, v11  }
0xb6: {  	v14 =	vld [tilespmem:s21+$0x10];
	v19 =	vmul.f32 v19, v11;
	[tilespmem:s20+$0x20] =	vst v13  }
0xb7: {  	v18 =	vsub.f32 v18, v10;
	v13 =	vld [tilespmem:s21+$0x20];
	[tilespmem:s20+$0x30] =	vst v12  }
0xb8: {  	s22 =	sadd.s32 $0xFFFFFFFF, s22;
	v17 =	vsub.f32 v17, v10;
	v12 =	vld [tilespmem:s21+$0x30];
	[tilespmem:s20+$0xFFFFFFF0] =	vst v19;
	s20 =	smov.u32 s21  }
.LBB2_13:
0xb9: {  	v18 =	vmul.f32 v18, v11;
	v16 =	vsub.f32 v16, v10;
	v19 =	vld [tilespmem:s21+$0xFFFFFFF0]  }
0xba: {  	v17 =	vmul.f32 v17, v11;
	v15 =	vsub.f32 v15, v10  }
0xbb: {  	[tilespmem:s20+$0xFFFFFFC0] =	vst v18;
	v16 =	vmul.f32 v16, v11;
	v14 =	vsub.f32 v14, v10  }
0xbc: {  	[tilespmem:s20+$0xFFFFFFD0] =	vst v17;
	v15 =	vmul.f32 v15, v11;
	v13 =	vsub.f32 v13, v10  }
0xbd: {  	[tilespmem:s20+$0xFFFFFFE0] =	vst v16;
	v14 =	vmul.f32 v14, v11;
	v12 =	vsub.f32 v12, v10  }
0xbe: {  	v62 =	vsub.f32 v19, v10;
	[tilespmem:s20+$0x0] =	vst v15;
	v13 =	vmul.f32 v13, v11  }
0xbf: {  	[tilespmem:s20+$0x10] =	vst v14;
	v12 =	vmul.f32 v12, v11  }
0xc0: {  	v63 =	vmul.f32 v62, v11;
	[tilespmem:s20+$0x20] =	vst v13  }
0xc1: {  	[tilespmem:s20+$0x30] =	vst v12  }
0xc2: {  	[tilespmem:s20+$0xFFFFFFF0] =	vst v63  }
.LBB2_14:
0xc3: {  	v12 =	vld [tilespmem:s19+$0x0]  }
0xc4: {  	v13 =	vld [tilespmem:s19+$0x10]  }
0xc5: {  	v14 =	vld [tilespmem:s19+$0x20]  }
0xc6: {  	v15 =	vld [tilespmem:s19+$0x30]  }
0xc7: {  	v16 =	vld [tilespmem:s19+$0x40]  }
0xc8: {  	v17 =	vld [tilespmem:s19+$0x50]  }
0xc9: {  	v18 =	vld [tilespmem:s19+$0x60];
	v12 =	vsub.f32 v12, v10  }
0xca: {  	v19 =	vld [tilespmem:s19+$0x70];
	v13 =	vsub.f32 v13, v10  }
0xcb: {  	v14 =	vsub.f32 v14, v10;
	v12 =	vmul.f32 v12, v11  }
0xcc: {  	v15 =	vsub.f32 v15, v10;
	v16 =	vsub.f32 v16, v10;
	v13 =	vmul.f32 v13, v11  }
0xcd: {  	v56 =	vsub.f32 v17, v10;
	v14 =	vmul.f32 v14, v11;
	v12 =	vnsel vm7, $0x0, v12  }
0xce: {  	v59 =	vsub.f32 v18, v10;
	v55 =	vmul.f32 v15, v11;
	v54 =	vnsel vm6, $0x0, v13;
	[tilespmem:s19+$0x0] =	vst v12  }
0xcf: {  	v10 =	vsub.f32 v19, v10;
	v58 =	vmul.f32 v16, v11;
	v57 =	vnsel vm5, $0x0, v14;
	[tilespmem:s19+$0x10] =	vst v54  }
0xd0: {  	v61 =	vmul.f32 v56, v11;
	v60 =	vnsel vm4, $0x0, v55;
	[tilespmem:s19+$0x20] =	vst v57  }
.Ltmp14:
0xd1: {  	v10 =	vmul.f32 v10, v11;
	v62 =	vnsel vm3, $0x0, v58;
	[tilespmem:s19+$0x30] =	vst v60;
	(pc) =	sbr.rel @p1 .LBB2_18-.Ltmp14, $4  }
0xd2: {  	v63 =	vmul.f32 v59, v11;
	v11 =	vnsel vm2, $0x0, v61;
	[tilespmem:s19+$0x40] =	vst v62  }
0xd3: {  	v10 =	vnsel vm0, $0x0, v10;
	[tilespmem:s19+$0x50] =	vst v11  }
0xd4: {  	v11 =	vnsel vm1, $0x0, v63;
	[tilespmem:s19+$0x70] =	vst v10  }
0xd5: {  	[tilespmem:s19+$0x60] =	vst v11  }
0xd6: {  	[tilespmem:s18+$0xFFFFFF90] =	vst v5  }
0xd7: {  	[tilespmem:s18+$0x0] =	vst v5;
	p3 =	sne.s32 s13, $0x1  }
.Ltmp15:
0xd8: {  	[tilespmem:s18+$0xFFFFFFF0] =	vst v5;
	(pc) =	sbr.rel @!p3 .LBB2_17-.Ltmp15, $4  }
0xd9: {  	[tilespmem:s18+$0xFFFFFFE0] =	vst v5  }
0xda: {  	[tilespmem:s18+$0xFFFFFFD0] =	vst v5  }
0xdb: {  	[tilespmem:s18+$0xFFFFFFC0] =	vst v5  }
0xdc: {  	s19 =	sadd.s32 $0xFFFFFFFF, s13;
	[tilespmem:s18+$0xFFFFFFB0] =	vst v5;
	s20 =	smov.u32 s18  }
.LBB2_16:
0xdd: {  	p3 =	sne.s32 s19, $0x1;
	s19 =	sadd.s32 $0xFFFFFFFF, s19;
	[tilespmem:s20+$0xFFFFFFA0] =	vst v5;
	s20 =	sadd.s32 $0x400, s20  }
0xde: {  	[tilespmem:s20+$0xFFFFFF90] =	vst v5  }
0xdf: {  	[tilespmem:s20+$0x0] =	vst v5  }
.Ltmp16:
0xe0: {  	[tilespmem:s20+$0xFFFFFFF0] =	vst v5;
	(pc) =	sbr.rel @p3 .LBB2_16-.Ltmp16, $4  }
0xe1: {  	[tilespmem:s20+$0xFFFFFFE0] =	vst v5  }
0xe2: {  	[tilespmem:s20+$0xFFFFFFD0] =	vst v5  }
0xe3: {  	[tilespmem:s20+$0xFFFFFFC0] =	vst v5  }
0xe4: {  	[tilespmem:s20+$0xFFFFFFB0] =	vst v5  }
.Ltmp17:
0xe5: {  	_ = 	snop;
	(pc) =	sbr.rel .LBB2_17-.Ltmp17, $1  }
0xe6: {  	_ =	sdelay $0x3  }
.LBB2_6:
.Ltmp18:
0xe7: {  	(pc) =	sbr.rel .LBB2_9-.Ltmp18, $2  }
0xe8: {  	_ =	sdelay $0x2  }
0xe9: {  	s19 =	smov.u32 s17  }
.LBB2_21:
0xea: {  	_ =	sfence.sel $0x180000  }
0xeb: {  	[bflag:$0x0] =	sbarrier.arrive $0xFFFF  }
0xec: {  	p0 =	sne.s32 s5, $0x0;
	_ =	strace $0x90000047  }
0xed: {  	s0 =	sadd.s32 @!p0 $0x100000, s2;
	[bflag:$0x2] =	sbarrier.arrive $0xFFFF  }
0xee: {  	[sflag:s0] =	ssyncadd.tile.s32 @!p0 $0x1;
	_ =	shalt  }
.Lfunc_end2:
_tile_overlayer_lowered:
.L_overlay_start_2:
0xef: {  	(tag) =	ssettag $0x2  }
0xf0: {  	s0 =	rddreg [dreg:$0x0];
	s2 =	stileid.u32  }
0xf1: {  	s1 =	rddreg [dreg:$0x1];
	p0 =	sne.s32 s2, $0x0  }
0xf2: {  	s3 =	rddreg [dreg:$0x2];
	[bflag:$0x3] =	sbarrier.arrive $0xFFFF;
	s2 =	simm.s32 @!p0 $0x1C01  }
0xf3: {  	[timem:s3], [sflag:s2] =	dma.local @!p0 [hbm:s0], s1  }
0xf4: {  	s0 =	simm.s32 @!p0 $0x1  }
0xf5: {  	_ =	swait.ge @!p0 [sflag:s0], s1  }
0xf6: {  	s1 =	ssub.s32 @!p0 $0x0, s1;
	[sflag:s0] =	ssyncset.done @!p0 $0x0  }
0xf7: {  	[sflag:s0] =	ssyncadd.s32 @!p0 s1  }
0xf8: {  	[bflag:$0x3] =	sbarrier.arrive $0xFFFF  }
0xf9: {  	_ =	shalt  }

</sc_bundles>
